<compile_context>
chip_gen: v7x
topology: tpu7x:2x2x1
jax: 0.10.2.dev20260603
libtpu: 0.0.44.dev20260713+nightly
codegen_flags: <defaults>
</compile_context>

<pallas_src>
import functools

import jax
import jax.numpy as jnp
from jax import lax
from jax.experimental import pallas as pl
from jax.experimental.pallas import tpu as pltpu
from jax.experimental.pallas import tpu_sc as plsc

_B = 16384
_VOCAB = 5
_EMB = 4
_NF = 3
_OD = 8
_NC = 2
_NS = 16
_NW = _NC * _NS
_RPT = _B // _NW
_TPAD = 48
_NROWS = _RPT * _NF // 128


def _body(ids_hbm, num_hbm, emb_hbm, w_hbm, b_hbm, out_hbm,
          ids_v, num_v, out_v, emb_v, w_v, b_v, t_v, sem_big, sem_small):
    wid = lax.axis_index("s") * _NC + lax.axis_index("c")
    base = wid * _RPT

    cp_ids = pltpu.async_copy(ids_hbm.at[pl.ds(base, _RPT)], ids_v, sem_big)
    cp_num = pltpu.async_copy(
        num_hbm.at[pl.ds(wid * _NROWS, _NROWS)], num_v, sem_big)
    cp_emb = pltpu.async_copy(emb_hbm, emb_v, sem_small)
    cp_w = pltpu.async_copy(w_hbm, w_v, sem_small)
    cp_b = pltpu.async_copy(b_hbm, b_v, sem_small)
    cp_emb.wait()
    cp_w.wait()
    cp_b.wait()

    iota = lax.iota(jnp.int32, 16)

    for g in range(_TPAD // 16):
        e = iota + g * 16
        v_idx = jnp.minimum(e >> 3, _VOCAB - 1)
        j_idx = e & 7
        tv = plsc.load_gather(b_v, [j_idx])
        for k in range(_EMB):
            kf = jnp.full((16,), k, jnp.int32)
            tv = tv + (plsc.load_gather(emb_v, [v_idx, kf]) *
                       plsc.load_gather(w_v, [kf, j_idx]))
        t_v[pl.ds(g * 16, 16)] = tv

    w2 = [[plsc.load_gather(w_v, [jnp.full((16,), _EMB + m, jnp.int32),
                                  jnp.full((16,), j, jnp.int32)])
           for j in range(_OD)] for m in range(_NF)]

    cp_ids.wait()
    cp_num.wait()

    @plsc.parallel_loop(0, _RPT // 16)
    def _(i):
        rowvec = iota + i * 16
        ids16 = ids_v[pl.ds(i * 16, 16)]
        tbase = ids16 * _OD
        acc = [plsc.load_gather(t_v, [tbase + j]) for j in range(_OD)]
        rv3 = rowvec * _NF
        for m in range(_NF):
            fm = rv3 + m
            n_m = plsc.load_gather(num_v, [fm >> 7, fm & 127])
            for j in range(_OD):
                acc[j] = acc[j] + n_m * w2[m][j]
        for j in range(_OD):
            plsc.store_scatter(out_v, [rowvec, jnp.full((16,), j, jnp.int32)],
                               jnp.maximum(acc[j], 0.0))

    pltpu.sync_copy(out_v, out_hbm.at[pl.ds(base, _RPT)])


@jax.jit
def _run(ids, num, emb, w, b):
    mesh = plsc.VectorSubcoreMesh(core_axis_name="c", subcore_axis_name="s")
    f = pl.kernel(
        _body,
        out_type=jax.ShapeDtypeStruct((_B, _OD), jnp.float32),
        mesh=mesh,
        compiler_params=pltpu.CompilerParams(
            needs_layout_passes=False, use_tc_tiling_on_sc=False),
        scratch_types=[
            pltpu.VMEM((_RPT,), jnp.int32),
            pltpu.VMEM((_NROWS, 128), jnp.float32),
            pltpu.VMEM((_RPT, _OD), jnp.float32),
            pltpu.VMEM((_VOCAB, _EMB), jnp.float32),
            pltpu.VMEM((_EMB + _NF, _OD), jnp.float32),
            pltpu.VMEM((_OD,), jnp.float32),
            pltpu.VMEM((_TPAD,), jnp.float32),
            pltpu.SemaphoreType.DMA,
            pltpu.SemaphoreType.DMA,
        ],
    )
    return f(ids, num.reshape(_B * _NF // 128, 128), emb, w, b)


def kernel(code_type_ids_tensor, numerical_props_tensor, emb_table, W, b):
    return _run(code_type_ids_tensor, numerical_props_tensor, emb_table, W, b)

# --- scband reference (transcript-rebuilt; emitter-appended) ---
"""Pipeline reference for scband-qeccode-encoder-42133629174397 (READ-ONLY COPY).

The authoritative reference and input builder live on the scoring server;
editing this copy changes nothing except your own understanding.
"""

import jax, jax.numpy as jnp
import numpy as np

B = 16384
VOCAB = 5
CODE_EMB_DIM = 4
NUM_FEATS = 3
OUTPUT_DIM = 8

def setup_inputs(seed: int = 0) -> dict:
    key = jax.random.key(seed)
    k1, k2, k3, k4 = jax.random.split(key, 4)
    code_type_ids_tensor = jax.random.randint(k1, (B,), 0, VOCAB, dtype=jnp.int32)
    numerical_props_tensor = jax.random.uniform(k2, (B, NUM_FEATS), dtype=jnp.float32)
    # Learned parameters
    emb_table = jax.random.normal(k3, (VOCAB, CODE_EMB_DIM), dtype=jnp.float32)
    # Keras Dense default: glorot_uniform kernel, zeros bias
    fan_in = CODE_EMB_DIM + NUM_FEATS
    limit = np.sqrt(6.0 / (fan_in + OUTPUT_DIM))
    W = jax.random.uniform(k4, (fan_in, OUTPUT_DIM), minval=-limit, maxval=limit, dtype=jnp.float32)
    b = jnp.zeros((OUTPUT_DIM,), dtype=jnp.float32)
    return {
        'code_type_ids_tensor': code_type_ids_tensor,
        'numerical_props_tensor': numerical_props_tensor,
        'emb_table': emb_table,
        'W': W,
        'b': b,
    }

def reference(code_type_ids_tensor, numerical_props_tensor, emb_table, W, b):
    # Embedding lookup (gather)
    code_type_emb = jnp.take(emb_table, code_type_ids_tensor, axis=0)
    # Concat with numerical properties
    combined_input = jnp.concatenate([code_type_emb, numerical_props_tensor], axis=-1)
    # Dense + relu
    out = jnp.dot(combined_input, W) + b
    return jax.nn.relu(out)

if __name__ == "__main__":
    import jax
    _d = setup_inputs()
    print(jax.jit(kernel)(*tuple(_d.values())))

</pallas_src>

<mosaic_0001>
#map = affine_map<(d0, d1) -> (0)>
#map1 = affine_map<(d0, d1) -> (0, 0)>
module attributes {stable_mosaic.version = 14 : i64} {
  func.func @_body(%arg0: i32, %arg1: i32, %arg2: memref<16384xi32, #tpu.memory_space<hbm>>, %arg3: memref<384x128xf32, #tpu.memory_space<hbm>>, %arg4: memref<5x4xf32, #tpu.memory_space<hbm>>, %arg5: memref<7x8xf32, #tpu.memory_space<hbm>>, %arg6: memref<8xf32, #tpu.memory_space<hbm>>, %arg7: memref<16384x8xf32, #tpu.memory_space<hbm>>, %arg8: memref<512xi32, #tpu.memory_space<vmem>>, %arg9: memref<12x128xf32, #tpu.memory_space<vmem>>, %arg10: memref<512x8xf32, #tpu.memory_space<vmem>>, %arg11: memref<5x4xf32, #tpu.memory_space<vmem>>, %arg12: memref<7x8xf32, #tpu.memory_space<vmem>>, %arg13: memref<8xf32, #tpu.memory_space<vmem>>, %arg14: memref<48xf32, #tpu.memory_space<vmem>>, %arg15: memref<!tpu.dma_semaphore, #tpu.memory_space<semaphore_mem>>, %arg16: memref<!tpu.dma_semaphore, #tpu.memory_space<semaphore_mem>>) attributes {dimension_semantics = [#tpu.dimension_semantics<core_parallel>, #tpu.dimension_semantics<subcore_parallel>], iteration_bounds = array<i64: 2, 16>, scalar_prefetch = 0 : i64, scratch_operands = 9 : i64, tpu.core_type = #tpu.core_type<sc_vector_subcore>, window_params = [{transform_indices = #map}, {transform_indices = #map1}, {transform_indices = #map1}, {transform_indices = #map1}, {transform_indices = #map}, {transform_indices = #map1}]} {
    %mul3A = arith.constant 2 : i32
    %mul3A_0 = arith.muli %arg1, %mul3A : i32
    %add3A = arith.addi %mul3A_0, %arg0 : i32
    %mul3A_1 = arith.constant 512 : i32
    %mul3A_2 = arith.muli %add3A, %mul3A_1 : i32
    %dma_start3A = tpu.memref_slice %arg2[%mul3A_2] : memref<16384xi32, #tpu.memory_space<hbm>> -> memref<512xi32, #tpu.memory_space<hbm>>
    %dma_start3A_3 = tpu.memref_slice %arg2[%mul3A_2] : memref<16384xi32, #tpu.memory_space<hbm>> -> memref<512xi32, #tpu.memory_space<hbm>>
    tpu.enqueue_dma source(%dma_start3A_3 : memref<512xi32, #tpu.memory_space<hbm>>) target(%arg8 : memref<512xi32, #tpu.memory_space<vmem>>) target_semaphore(%arg15 : memref<!tpu.dma_semaphore, #tpu.memory_space<semaphore_mem>>)
    %mul3A_4 = arith.constant 12 : i32
    %mul3A_5 = arith.muli %add3A, %mul3A_4 : i32
    %dma_start3A_6 = arith.constant 0 : i32
    %dma_start3A_7 = tpu.memref_slice %arg3[%mul3A_5, %dma_start3A_6] : memref<384x128xf32, #tpu.memory_space<hbm>> -> memref<12x128xf32, #tpu.memory_space<hbm>>
    %dma_start3A_8 = arith.constant 0 : i32
    %dma_start3A_9 = tpu.memref_slice %arg3[%mul3A_5, %dma_start3A_8] : memref<384x128xf32, #tpu.memory_space<hbm>> -> memref<12x128xf32, #tpu.memory_space<hbm>>
    tpu.enqueue_dma source(%dma_start3A_9 : memref<12x128xf32, #tpu.memory_space<hbm>>) target(%arg9 : memref<12x128xf32, #tpu.memory_space<vmem>>) target_semaphore(%arg15 : memref<!tpu.dma_semaphore, #tpu.memory_space<semaphore_mem>>)
    tpu.enqueue_dma source(%arg4 : memref<5x4xf32, #tpu.memory_space<hbm>>) target(%arg11 : memref<5x4xf32, #tpu.memory_space<vmem>>) target_semaphore(%arg16 : memref<!tpu.dma_semaphore, #tpu.memory_space<semaphore_mem>>)
    tpu.enqueue_dma source(%arg5 : memref<7x8xf32, #tpu.memory_space<hbm>>) target(%arg12 : memref<7x8xf32, #tpu.memory_space<vmem>>) target_semaphore(%arg16 : memref<!tpu.dma_semaphore, #tpu.memory_space<semaphore_mem>>)
    tpu.enqueue_dma source(%arg6 : memref<8xf32, #tpu.memory_space<hbm>>) target(%arg13 : memref<8xf32, #tpu.memory_space<vmem>>) target_semaphore(%arg16 : memref<!tpu.dma_semaphore, #tpu.memory_space<semaphore_mem>>)
    tpu.wait_dma2 semaphore(%arg16 : memref<!tpu.dma_semaphore, #tpu.memory_space<semaphore_mem>>) src(%arg4 : memref<5x4xf32, #tpu.memory_space<hbm>>) dst(%arg11 : memref<5x4xf32, #tpu.memory_space<vmem>>)
    tpu.wait_dma2 semaphore(%arg16 : memref<!tpu.dma_semaphore, #tpu.memory_space<semaphore_mem>>) src(%arg5 : memref<7x8xf32, #tpu.memory_space<hbm>>) dst(%arg12 : memref<7x8xf32, #tpu.memory_space<vmem>>)
    tpu.wait_dma2 semaphore(%arg16 : memref<!tpu.dma_semaphore, #tpu.memory_space<semaphore_mem>>) src(%arg6 : memref<8xf32, #tpu.memory_space<hbm>>) dst(%arg13 : memref<8xf32, #tpu.memory_space<vmem>>)
    %iota3A = tpu.iota {dimensions = array<i32: 0>} : vector<16xi32>
    %add3A_10 = arith.constant 0 : i32
    %add3A_11 = vector.broadcast %add3A_10 : i32 to vector<16xi32>
    %add3A_12 = arith.addi %iota3A, %add3A_11 : vector<16xi32>
    %shift_right_arithmetic3A = arith.constant 3 : i32
    %shift_right_arithmetic3A_13 = vector.broadcast %shift_right_arithmetic3A : i32 to vector<16xi32>
    %shift_right_arithmetic3A_14 = arith.shrsi %add3A_12, %shift_right_arithmetic3A_13 : vector<16xi32>
    %min3A = arith.constant 4 : i32
    %min3A_15 = vector.broadcast %min3A : i32 to vector<16xi32>
    %min3A_16 = arith.minsi %shift_right_arithmetic3A_14, %min3A_15 : vector<16xi32>
    %and3A = arith.constant 7 : i32
    %and3A_17 = vector.broadcast %and3A : i32 to vector<16xi32>
    %and3A_18 = arith.andi %add3A_12, %and3A_17 : vector<16xi32>
    %gather3A = tpu.vector_load_idx %arg13[%and3A_18] : memref<8xf32, #tpu.memory_space<vmem>>[vector<16xi32>], vector<16xf32>,
    %broadcast_in_dim3A = arith.constant 0 : i32
    %broadcast_in_dim3A_19 = vector.broadcast %broadcast_in_dim3A : i32 to vector<16xi32>
    %gather3A_20 = tpu.vector_load_idx %arg11[%min3A_16, %broadcast_in_dim3A_19] : memref<5x4xf32, #tpu.memory_space<vmem>>[vector<16xi32>, vector<16xi32>], vector<16xf32>,
    %gather3A_21 = tpu.vector_load_idx %arg12[%broadcast_in_dim3A_19, %and3A_18] : memref<7x8xf32, #tpu.memory_space<vmem>>[vector<16xi32>, vector<16xi32>], vector<16xf32>,
    %mul3A_22 = arith.mulf %gather3A_20, %gather3A_21 : vector<16xf32>
    %add3A_23 = arith.addf %gather3A, %mul3A_22 : vector<16xf32>
    %broadcast_in_dim3A_24 = arith.constant 1 : i32
    %broadcast_in_dim3A_25 = vector.broadcast %broadcast_in_dim3A_24 : i32 to vector<16xi32>
    %gather3A_26 = tpu.vector_load_idx %arg11[%min3A_16, %broadcast_in_dim3A_25] : memref<5x4xf32, #tpu.memory_space<vmem>>[vector<16xi32>, vector<16xi32>], vector<16xf32>,
    %gather3A_27 = tpu.vector_load_idx %arg12[%broadcast_in_dim3A_25, %and3A_18] : memref<7x8xf32, #tpu.memory_space<vmem>>[vector<16xi32>, vector<16xi32>], vector<16xf32>,
    %mul3A_28 = arith.mulf %gather3A_26, %gather3A_27 : vector<16xf32>
    %add3A_29 = arith.addf %add3A_23, %mul3A_28 : vector<16xf32>
    %broadcast_in_dim3A_30 = arith.constant 2 : i32
    %broadcast_in_dim3A_31 = vector.broadcast %broadcast_in_dim3A_30 : i32 to vector<16xi32>
    %gather3A_32 = tpu.vector_load_idx %arg11[%min3A_16, %broadcast_in_dim3A_31] : memref<5x4xf32, #tpu.memory_space<vmem>>[vector<16xi32>, vector<16xi32>], vector<16xf32>,
    %gather3A_33 = tpu.vector_load_idx %arg12[%broadcast_in_dim3A_31, %and3A_18] : memref<7x8xf32, #tpu.memory_space<vmem>>[vector<16xi32>, vector<16xi32>], vector<16xf32>,
    %mul3A_34 = arith.mulf %gather3A_32, %gather3A_33 : vector<16xf32>
    %add3A_35 = arith.addf %add3A_29, %mul3A_34 : vector<16xf32>
    %broadcast_in_dim3A_36 = arith.constant 3 : i32
    %broadcast_in_dim3A_37 = vector.broadcast %broadcast_in_dim3A_36 : i32 to vector<16xi32>
    %gather3A_38 = tpu.vector_load_idx %arg11[%min3A_16, %broadcast_in_dim3A_37] : memref<5x4xf32, #tpu.memory_space<vmem>>[vector<16xi32>, vector<16xi32>], vector<16xf32>,
    %gather3A_39 = tpu.vector_load_idx %arg12[%broadcast_in_dim3A_37, %and3A_18] : memref<7x8xf32, #tpu.memory_space<vmem>>[vector<16xi32>, vector<16xi32>], vector<16xf32>,
    %mul3A_40 = arith.mulf %gather3A_38, %gather3A_39 : vector<16xf32>
    %add3A_41 = arith.addf %add3A_35, %mul3A_40 : vector<16xf32>
    %swap3A = arith.constant 0 : index
    %swap3A_42 = tpu.vector_load %arg14[%swap3A] {strides = array<i32>} : memref<48xf32, #tpu.memory_space<vmem>>, vector<16xf32>,
    tpu.vector_store %arg14[%swap3A], %add3A_41 {strides = array<i32>} : memref<48xf32, #tpu.memory_space<vmem>>, vector<16xf32>,
    %add3A_43 = arith.constant 16 : i32
    %add3A_44 = vector.broadcast %add3A_43 : i32 to vector<16xi32>
    %add3A_45 = arith.addi %iota3A, %add3A_44 : vector<16xi32>
    %shift_right_arithmetic3A_46 = arith.constant 3 : i32
    %shift_right_arithmetic3A_47 = vector.broadcast %shift_right_arithmetic3A_46 : i32 to vector<16xi32>
    %shift_right_arithmetic3A_48 = arith.shrsi %add3A_45, %shift_right_arithmetic3A_47 : vector<16xi32>
    %min3A_49 = arith.constant 4 : i32
    %min3A_50 = vector.broadcast %min3A_49 : i32 to vector<16xi32>
    %min3A_51 = arith.minsi %shift_right_arithmetic3A_48, %min3A_50 : vector<16xi32>
    %and3A_52 = arith.constant 7 : i32
    %and3A_53 = vector.broadcast %and3A_52 : i32 to vector<16xi32>
    %and3A_54 = arith.andi %add3A_45, %and3A_53 : vector<16xi32>
    %gather3A_55 = tpu.vector_load_idx %arg13[%and3A_54] : memref<8xf32, #tpu.memory_space<vmem>>[vector<16xi32>], vector<16xf32>,
    %broadcast_in_dim3A_56 = arith.constant 0 : i32
    %broadcast_in_dim3A_57 = vector.broadcast %broadcast_in_dim3A_56 : i32 to vector<16xi32>
    %gather3A_58 = tpu.vector_load_idx %arg11[%min3A_51, %broadcast_in_dim3A_57] : memref<5x4xf32, #tpu.memory_space<vmem>>[vector<16xi32>, vector<16xi32>], vector<16xf32>,
    %gather3A_59 = tpu.vector_load_idx %arg12[%broadcast_in_dim3A_57, %and3A_54] : memref<7x8xf32, #tpu.memory_space<vmem>>[vector<16xi32>, vector<16xi32>], vector<16xf32>,
    %mul3A_60 = arith.mulf %gather3A_58, %gather3A_59 : vector<16xf32>
    %add3A_61 = arith.addf %gather3A_55, %mul3A_60 : vector<16xf32>
    %broadcast_in_dim3A_62 = arith.constant 1 : i32
    %broadcast_in_dim3A_63 = vector.broadcast %broadcast_in_dim3A_62 : i32 to vector<16xi32>
    %gather3A_64 = tpu.vector_load_idx %arg11[%min3A_51, %broadcast_in_dim3A_63] : memref<5x4xf32, #tpu.memory_space<vmem>>[vector<16xi32>, vector<16xi32>], vector<16xf32>,
    %gather3A_65 = tpu.vector_load_idx %arg12[%broadcast_in_dim3A_63, %and3A_54] : memref<7x8xf32, #tpu.memory_space<vmem>>[vector<16xi32>, vector<16xi32>], vector<16xf32>,
    %mul3A_66 = arith.mulf %gather3A_64, %gather3A_65 : vector<16xf32>
    %add3A_67 = arith.addf %add3A_61, %mul3A_66 : vector<16xf32>
    %broadcast_in_dim3A_68 = arith.constant 2 : i32
    %broadcast_in_dim3A_69 = vector.broadcast %broadcast_in_dim3A_68 : i32 to vector<16xi32>
    %gather3A_70 = tpu.vector_load_idx %arg11[%min3A_51, %broadcast_in_dim3A_69] : memref<5x4xf32, #tpu.memory_space<vmem>>[vector<16xi32>, vector<16xi32>], vector<16xf32>,
    %gather3A_71 = tpu.vector_load_idx %arg12[%broadcast_in_dim3A_69, %and3A_54] : memref<7x8xf32, #tpu.memory_space<vmem>>[vector<16xi32>, vector<16xi32>], vector<16xf32>,
    %mul3A_72 = arith.mulf %gather3A_70, %gather3A_71 : vector<16xf32>
    %add3A_73 = arith.addf %add3A_67, %mul3A_72 : vector<16xf32>
    %broadcast_in_dim3A_74 = arith.constant 3 : i32
    %broadcast_in_dim3A_75 = vector.broadcast %broadcast_in_dim3A_74 : i32 to vector<16xi32>
    %gather3A_76 = tpu.vector_load_idx %arg11[%min3A_51, %broadcast_in_dim3A_75] : memref<5x4xf32, #tpu.memory_space<vmem>>[vector<16xi32>, vector<16xi32>], vector<16xf32>,
    %gather3A_77 = tpu.vector_load_idx %arg12[%broadcast_in_dim3A_75, %and3A_54] : memref<7x8xf32, #tpu.memory_space<vmem>>[vector<16xi32>, vector<16xi32>], vector<16xf32>,
    %mul3A_78 = arith.mulf %gather3A_76, %gather3A_77 : vector<16xf32>
    %add3A_79 = arith.addf %add3A_73, %mul3A_78 : vector<16xf32>
    %swap3A_80 = arith.constant 16 : index
    %swap3A_81 = tpu.vector_load %arg14[%swap3A_80] {strides = array<i32>} : memref<48xf32, #tpu.memory_space<vmem>>, vector<16xf32>,
    tpu.vector_store %arg14[%swap3A_80], %add3A_79 {strides = array<i32>} : memref<48xf32, #tpu.memory_space<vmem>>, vector<16xf32>,
    %add3A_82 = arith.constant 32 : i32
    %add3A_83 = vector.broadcast %add3A_82 : i32 to vector<16xi32>
    %add3A_84 = arith.addi %iota3A, %add3A_83 : vector<16xi32>
    %shift_right_arithmetic3A_85 = arith.constant 3 : i32
    %shift_right_arithmetic3A_86 = vector.broadcast %shift_right_arithmetic3A_85 : i32 to vector<16xi32>
    %shift_right_arithmetic3A_87 = arith.shrsi %add3A_84, %shift_right_arithmetic3A_86 : vector<16xi32>
    %min3A_88 = arith.constant 4 : i32
    %min3A_89 = vector.broadcast %min3A_88 : i32 to vector<16xi32>
    %min3A_90 = arith.minsi %shift_right_arithmetic3A_87, %min3A_89 : vector<16xi32>
    %and3A_91 = arith.constant 7 : i32
    %and3A_92 = vector.broadcast %and3A_91 : i32 to vector<16xi32>
    %and3A_93 = arith.andi %add3A_84, %and3A_92 : vector<16xi32>
    %gather3A_94 = tpu.vector_load_idx %arg13[%and3A_93] : memref<8xf32, #tpu.memory_space<vmem>>[vector<16xi32>], vector<16xf32>,
    %broadcast_in_dim3A_95 = arith.constant 0 : i32
    %broadcast_in_dim3A_96 = vector.broadcast %broadcast_in_dim3A_95 : i32 to vector<16xi32>
    %gather3A_97 = tpu.vector_load_idx %arg11[%min3A_90, %broadcast_in_dim3A_96] : memref<5x4xf32, #tpu.memory_space<vmem>>[vector<16xi32>, vector<16xi32>], vector<16xf32>,
    %gather3A_98 = tpu.vector_load_idx %arg12[%broadcast_in_dim3A_96, %and3A_93] : memref<7x8xf32, #tpu.memory_space<vmem>>[vector<16xi32>, vector<16xi32>], vector<16xf32>,
    %mul3A_99 = arith.mulf %gather3A_97, %gather3A_98 : vector<16xf32>
    %add3A_100 = arith.addf %gather3A_94, %mul3A_99 : vector<16xf32>
    %broadcast_in_dim3A_101 = arith.constant 1 : i32
    %broadcast_in_dim3A_102 = vector.broadcast %broadcast_in_dim3A_101 : i32 to vector<16xi32>
    %gather3A_103 = tpu.vector_load_idx %arg11[%min3A_90, %broadcast_in_dim3A_102] : memref<5x4xf32, #tpu.memory_space<vmem>>[vector<16xi32>, vector<16xi32>], vector<16xf32>,
    %gather3A_104 = tpu.vector_load_idx %arg12[%broadcast_in_dim3A_102, %and3A_93] : memref<7x8xf32, #tpu.memory_space<vmem>>[vector<16xi32>, vector<16xi32>], vector<16xf32>,
    %mul3A_105 = arith.mulf %gather3A_103, %gather3A_104 : vector<16xf32>
    %add3A_106 = arith.addf %add3A_100, %mul3A_105 : vector<16xf32>
    %broadcast_in_dim3A_107 = arith.constant 2 : i32
    %broadcast_in_dim3A_108 = vector.broadcast %broadcast_in_dim3A_107 : i32 to vector<16xi32>
    %gather3A_109 = tpu.vector_load_idx %arg11[%min3A_90, %broadcast_in_dim3A_108] : memref<5x4xf32, #tpu.memory_space<vmem>>[vector<16xi32>, vector<16xi32>], vector<16xf32>,
    %gather3A_110 = tpu.vector_load_idx %arg12[%broadcast_in_dim3A_108, %and3A_93] : memref<7x8xf32, #tpu.memory_space<vmem>>[vector<16xi32>, vector<16xi32>], vector<16xf32>,
    %mul3A_111 = arith.mulf %gather3A_109, %gather3A_110 : vector<16xf32>
    %add3A_112 = arith.addf %add3A_106, %mul3A_111 : vector<16xf32>
    %broadcast_in_dim3A_113 = arith.constant 3 : i32
    %broadcast_in_dim3A_114 = vector.broadcast %broadcast_in_dim3A_113 : i32 to vector<16xi32>
    %gather3A_115 = tpu.vector_load_idx %arg11[%min3A_90, %broadcast_in_dim3A_114] : memref<5x4xf32, #tpu.memory_space<vmem>>[vector<16xi32>, vector<16xi32>], vector<16xf32>,
    %gather3A_116 = tpu.vector_load_idx %arg12[%broadcast_in_dim3A_114, %and3A_93] : memref<7x8xf32, #tpu.memory_space<vmem>>[vector<16xi32>, vector<16xi32>], vector<16xf32>,
    %mul3A_117 = arith.mulf %gather3A_115, %gather3A_116 : vector<16xf32>
    %add3A_118 = arith.addf %add3A_112, %mul3A_117 : vector<16xf32>
    %swap3A_119 = arith.constant 32 : index
    %swap3A_120 = tpu.vector_load %arg14[%swap3A_119] {strides = array<i32>} : memref<48xf32, #tpu.memory_space<vmem>>, vector<16xf32>,
    tpu.vector_store %arg14[%swap3A_119], %add3A_118 {strides = array<i32>} : memref<48xf32, #tpu.memory_space<vmem>>, vector<16xf32>,
    %broadcast_in_dim3A_121 = arith.constant 4 : i32
    %broadcast_in_dim3A_122 = vector.broadcast %broadcast_in_dim3A_121 : i32 to vector<16xi32>
    %broadcast_in_dim3A_123 = arith.constant 0 : i32
    %broadcast_in_dim3A_124 = vector.broadcast %broadcast_in_dim3A_123 : i32 to vector<16xi32>
    %gather3A_125 = tpu.vector_load_idx %arg12[%broadcast_in_dim3A_122, %broadcast_in_dim3A_124] : memref<7x8xf32, #tpu.memory_space<vmem>>[vector<16xi32>, vector<16xi32>], vector<16xf32>,
    %broadcast_in_dim3A_126 = arith.constant 4 : i32
    %broadcast_in_dim3A_127 = vector.broadcast %broadcast_in_dim3A_126 : i32 to vector<16xi32>
    %broadcast_in_dim3A_128 = arith.constant 1 : i32
    %broadcast_in_dim3A_129 = vector.broadcast %broadcast_in_dim3A_128 : i32 to vector<16xi32>
    %gather3A_130 = tpu.vector_load_idx %arg12[%broadcast_in_dim3A_127, %broadcast_in_dim3A_129] : memref<7x8xf32, #tpu.memory_space<vmem>>[vector<16xi32>, vector<16xi32>], vector<16xf32>,
    %broadcast_in_dim3A_131 = arith.constant 4 : i32
    %broadcast_in_dim3A_132 = vector.broadcast %broadcast_in_dim3A_131 : i32 to vector<16xi32>
    %broadcast_in_dim3A_133 = arith.constant 2 : i32
    %broadcast_in_dim3A_134 = vector.broadcast %broadcast_in_dim3A_133 : i32 to vector<16xi32>
    %gather3A_135 = tpu.vector_load_idx %arg12[%broadcast_in_dim3A_132, %broadcast_in_dim3A_134] : memref<7x8xf32, #tpu.memory_space<vmem>>[vector<16xi32>, vector<16xi32>], vector<16xf32>,
    %broadcast_in_dim3A_136 = arith.constant 4 : i32
    %broadcast_in_dim3A_137 = vector.broadcast %broadcast_in_dim3A_136 : i32 to vector<16xi32>
    %broadcast_in_dim3A_138 = arith.constant 3 : i32
    %broadcast_in_dim3A_139 = vector.broadcast %broadcast_in_dim3A_138 : i32 to vector<16xi32>
    %gather3A_140 = tpu.vector_load_idx %arg12[%broadcast_in_dim3A_137, %broadcast_in_dim3A_139] : memref<7x8xf32, #tpu.memory_space<vmem>>[vector<16xi32>, vector<16xi32>], vector<16xf32>,
    %broadcast_in_dim3A_141 = arith.constant 4 : i32
    %broadcast_in_dim3A_142 = vector.broadcast %broadcast_in_dim3A_141 : i32 to vector<16xi32>
    %broadcast_in_dim3A_143 = arith.constant 4 : i32
    %broadcast_in_dim3A_144 = vector.broadcast %broadcast_in_dim3A_143 : i32 to vector<16xi32>
    %gather3A_145 = tpu.vector_load_idx %arg12[%broadcast_in_dim3A_142, %broadcast_in_dim3A_144] : memref<7x8xf32, #tpu.memory_space<vmem>>[vector<16xi32>, vector<16xi32>], vector<16xf32>,
    %broadcast_in_dim3A_146 = arith.constant 4 : i32
    %broadcast_in_dim3A_147 = vector.broadcast %broadcast_in_dim3A_146 : i32 to vector<16xi32>
    %broadcast_in_dim3A_148 = arith.constant 5 : i32
    %broadcast_in_dim3A_149 = vector.broadcast %broadcast_in_dim3A_148 : i32 to vector<16xi32>
    %gather3A_150 = tpu.vector_load_idx %arg12[%broadcast_in_dim3A_147, %broadcast_in_dim3A_149] : memref<7x8xf32, #tpu.memory_space<vmem>>[vector<16xi32>, vector<16xi32>], vector<16xf32>,
    %broadcast_in_dim3A_151 = arith.constant 4 : i32
    %broadcast_in_dim3A_152 = vector.broadcast %broadcast_in_dim3A_151 : i32 to vector<16xi32>
    %broadcast_in_dim3A_153 = arith.constant 6 : i32
    %broadcast_in_dim3A_154 = vector.broadcast %broadcast_in_dim3A_153 : i32 to vector<16xi32>
    %gather3A_155 = tpu.vector_load_idx %arg12[%broadcast_in_dim3A_152, %broadcast_in_dim3A_154] : memref<7x8xf32, #tpu.memory_space<vmem>>[vector<16xi32>, vector<16xi32>], vector<16xf32>,
    %broadcast_in_dim3A_156 = arith.constant 4 : i32
    %broadcast_in_dim3A_157 = vector.broadcast %broadcast_in_dim3A_156 : i32 to vector<16xi32>
    %broadcast_in_dim3A_158 = arith.constant 7 : i32
    %broadcast_in_dim3A_159 = vector.broadcast %broadcast_in_dim3A_158 : i32 to vector<16xi32>
    %gather3A_160 = tpu.vector_load_idx %arg12[%broadcast_in_dim3A_157, %broadcast_in_dim3A_159] : memref<7x8xf32, #tpu.memory_space<vmem>>[vector<16xi32>, vector<16xi32>], vector<16xf32>,
    %broadcast_in_dim3A_161 = arith.constant 5 : i32
    %broadcast_in_dim3A_162 = vector.broadcast %broadcast_in_dim3A_161 : i32 to vector<16xi32>
    %broadcast_in_dim3A_163 = arith.constant 0 : i32
    %broadcast_in_dim3A_164 = vector.broadcast %broadcast_in_dim3A_163 : i32 to vector<16xi32>
    %gather3A_165 = tpu.vector_load_idx %arg12[%broadcast_in_dim3A_162, %broadcast_in_dim3A_164] : memref<7x8xf32, #tpu.memory_space<vmem>>[vector<16xi32>, vector<16xi32>], vector<16xf32>,
    %broadcast_in_dim3A_166 = arith.constant 5 : i32
    %broadcast_in_dim3A_167 = vector.broadcast %broadcast_in_dim3A_166 : i32 to vector<16xi32>
    %broadcast_in_dim3A_168 = arith.constant 1 : i32
    %broadcast_in_dim3A_169 = vector.broadcast %broadcast_in_dim3A_168 : i32 to vector<16xi32>
    %gather3A_170 = tpu.vector_load_idx %arg12[%broadcast_in_dim3A_167, %broadcast_in_dim3A_169] : memref<7x8xf32, #tpu.memory_space<vmem>>[vector<16xi32>, vector<16xi32>], vector<16xf32>,
    %broadcast_in_dim3A_171 = arith.constant 5 : i32
    %broadcast_in_dim3A_172 = vector.broadcast %broadcast_in_dim3A_171 : i32 to vector<16xi32>
    %broadcast_in_dim3A_173 = arith.constant 2 : i32
    %broadcast_in_dim3A_174 = vector.broadcast %broadcast_in_dim3A_173 : i32 to vector<16xi32>
    %gather3A_175 = tpu.vector_load_idx %arg12[%broadcast_in_dim3A_172, %broadcast_in_dim3A_174] : memref<7x8xf32, #tpu.memory_space<vmem>>[vector<16xi32>, vector<16xi32>], vector<16xf32>,
    %broadcast_in_dim3A_176 = arith.constant 5 : i32
    %broadcast_in_dim3A_177 = vector.broadcast %broadcast_in_dim3A_176 : i32 to vector<16xi32>
    %broadcast_in_dim3A_178 = arith.constant 3 : i32
    %broadcast_in_dim3A_179 = vector.broadcast %broadcast_in_dim3A_178 : i32 to vector<16xi32>
    %gather3A_180 = tpu.vector_load_idx %arg12[%broadcast_in_dim3A_177, %broadcast_in_dim3A_179] : memref<7x8xf32, #tpu.memory_space<vmem>>[vector<16xi32>, vector<16xi32>], vector<16xf32>,
    %broadcast_in_dim3A_181 = arith.constant 5 : i32
    %broadcast_in_dim3A_182 = vector.broadcast %broadcast_in_dim3A_181 : i32 to vector<16xi32>
    %broadcast_in_dim3A_183 = arith.constant 4 : i32
    %broadcast_in_dim3A_184 = vector.broadcast %broadcast_in_dim3A_183 : i32 to vector<16xi32>
    %gather3A_185 = tpu.vector_load_idx %arg12[%broadcast_in_dim3A_182, %broadcast_in_dim3A_184] : memref<7x8xf32, #tpu.memory_space<vmem>>[vector<16xi32>, vector<16xi32>], vector<16xf32>,
    %broadcast_in_dim3A_186 = arith.constant 5 : i32
    %broadcast_in_dim3A_187 = vector.broadcast %broadcast_in_dim3A_186 : i32 to vector<16xi32>
    %broadcast_in_dim3A_188 = arith.constant 5 : i32
    %broadcast_in_dim3A_189 = vector.broadcast %broadcast_in_dim3A_188 : i32 to vector<16xi32>
    %gather3A_190 = tpu.vector_load_idx %arg12[%broadcast_in_dim3A_187, %broadcast_in_dim3A_189] : memref<7x8xf32, #tpu.memory_space<vmem>>[vector<16xi32>, vector<16xi32>], vector<16xf32>,
    %broadcast_in_dim3A_191 = arith.constant 5 : i32
    %broadcast_in_dim3A_192 = vector.broadcast %broadcast_in_dim3A_191 : i32 to vector<16xi32>
    %broadcast_in_dim3A_193 = arith.constant 6 : i32
    %broadcast_in_dim3A_194 = vector.broadcast %broadcast_in_dim3A_193 : i32 to vector<16xi32>
    %gather3A_195 = tpu.vector_load_idx %arg12[%broadcast_in_dim3A_192, %broadcast_in_dim3A_194] : memref<7x8xf32, #tpu.memory_space<vmem>>[vector<16xi32>, vector<16xi32>], vector<16xf32>,
    %broadcast_in_dim3A_196 = arith.constant 5 : i32
    %broadcast_in_dim3A_197 = vector.broadcast %broadcast_in_dim3A_196 : i32 to vector<16xi32>
    %broadcast_in_dim3A_198 = arith.constant 7 : i32
    %broadcast_in_dim3A_199 = vector.broadcast %broadcast_in_dim3A_198 : i32 to vector<16xi32>
    %gather3A_200 = tpu.vector_load_idx %arg12[%broadcast_in_dim3A_197, %broadcast_in_dim3A_199] : memref<7x8xf32, #tpu.memory_space<vmem>>[vector<16xi32>, vector<16xi32>], vector<16xf32>,
    %broadcast_in_dim3A_201 = arith.constant 6 : i32
    %broadcast_in_dim3A_202 = vector.broadcast %broadcast_in_dim3A_201 : i32 to vector<16xi32>
    %broadcast_in_dim3A_203 = arith.constant 0 : i32
    %broadcast_in_dim3A_204 = vector.broadcast %broadcast_in_dim3A_203 : i32 to vector<16xi32>
    %gather3A_205 = tpu.vector_load_idx %arg12[%broadcast_in_dim3A_202, %broadcast_in_dim3A_204] : memref<7x8xf32, #tpu.memory_space<vmem>>[vector<16xi32>, vector<16xi32>], vector<16xf32>,
    %broadcast_in_dim3A_206 = arith.constant 6 : i32
    %broadcast_in_dim3A_207 = vector.broadcast %broadcast_in_dim3A_206 : i32 to vector<16xi32>
    %broadcast_in_dim3A_208 = arith.constant 1 : i32
    %broadcast_in_dim3A_209 = vector.broadcast %broadcast_in_dim3A_208 : i32 to vector<16xi32>
    %gather3A_210 = tpu.vector_load_idx %arg12[%broadcast_in_dim3A_207, %broadcast_in_dim3A_209] : memref<7x8xf32, #tpu.memory_space<vmem>>[vector<16xi32>, vector<16xi32>], vector<16xf32>,
    %broadcast_in_dim3A_211 = arith.constant 6 : i32
    %broadcast_in_dim3A_212 = vector.broadcast %broadcast_in_dim3A_211 : i32 to vector<16xi32>
    %broadcast_in_dim3A_213 = arith.constant 2 : i32
    %broadcast_in_dim3A_214 = vector.broadcast %broadcast_in_dim3A_213 : i32 to vector<16xi32>
    %gather3A_215 = tpu.vector_load_idx %arg12[%broadcast_in_dim3A_212, %broadcast_in_dim3A_214] : memref<7x8xf32, #tpu.memory_space<vmem>>[vector<16xi32>, vector<16xi32>], vector<16xf32>,
    %broadcast_in_dim3A_216 = arith.constant 6 : i32
    %broadcast_in_dim3A_217 = vector.broadcast %broadcast_in_dim3A_216 : i32 to vector<16xi32>
    %broadcast_in_dim3A_218 = arith.constant 3 : i32
    %broadcast_in_dim3A_219 = vector.broadcast %broadcast_in_dim3A_218 : i32 to vector<16xi32>
    %gather3A_220 = tpu.vector_load_idx %arg12[%broadcast_in_dim3A_217, %broadcast_in_dim3A_219] : memref<7x8xf32, #tpu.memory_space<vmem>>[vector<16xi32>, vector<16xi32>], vector<16xf32>,
    %broadcast_in_dim3A_221 = arith.constant 6 : i32
    %broadcast_in_dim3A_222 = vector.broadcast %broadcast_in_dim3A_221 : i32 to vector<16xi32>
    %broadcast_in_dim3A_223 = arith.constant 4 : i32
    %broadcast_in_dim3A_224 = vector.broadcast %broadcast_in_dim3A_223 : i32 to vector<16xi32>
    %gather3A_225 = tpu.vector_load_idx %arg12[%broadcast_in_dim3A_222, %broadcast_in_dim3A_224] : memref<7x8xf32, #tpu.memory_space<vmem>>[vector<16xi32>, vector<16xi32>], vector<16xf32>,
    %broadcast_in_dim3A_226 = arith.constant 6 : i32
    %broadcast_in_dim3A_227 = vector.broadcast %broadcast_in_dim3A_226 : i32 to vector<16xi32>
    %broadcast_in_dim3A_228 = arith.constant 5 : i32
    %broadcast_in_dim3A_229 = vector.broadcast %broadcast_in_dim3A_228 : i32 to vector<16xi32>
    %gather3A_230 = tpu.vector_load_idx %arg12[%broadcast_in_dim3A_227, %broadcast_in_dim3A_229] : memref<7x8xf32, #tpu.memory_space<vmem>>[vector<16xi32>, vector<16xi32>], vector<16xf32>,
    %broadcast_in_dim3A_231 = arith.constant 6 : i32
    %broadcast_in_dim3A_232 = vector.broadcast %broadcast_in_dim3A_231 : i32 to vector<16xi32>
    %broadcast_in_dim3A_233 = arith.constant 6 : i32
    %broadcast_in_dim3A_234 = vector.broadcast %broadcast_in_dim3A_233 : i32 to vector<16xi32>
    %gather3A_235 = tpu.vector_load_idx %arg12[%broadcast_in_dim3A_232, %broadcast_in_dim3A_234] : memref<7x8xf32, #tpu.memory_space<vmem>>[vector<16xi32>, vector<16xi32>], vector<16xf32>,
    %broadcast_in_dim3A_236 = arith.constant 6 : i32
    %broadcast_in_dim3A_237 = vector.broadcast %broadcast_in_dim3A_236 : i32 to vector<16xi32>
    %broadcast_in_dim3A_238 = arith.constant 7 : i32
    %broadcast_in_dim3A_239 = vector.broadcast %broadcast_in_dim3A_238 : i32 to vector<16xi32>
    %gather3A_240 = tpu.vector_load_idx %arg12[%broadcast_in_dim3A_237, %broadcast_in_dim3A_239] : memref<7x8xf32, #tpu.memory_space<vmem>>[vector<16xi32>, vector<16xi32>], vector<16xf32>,
    %dma_wait3A = tpu.memref_slice %arg2[%mul3A_2] : memref<16384xi32, #tpu.memory_space<hbm>> -> memref<512xi32, #tpu.memory_space<hbm>>
    %dma_wait3A_241 = tpu.memref_slice %arg2[%mul3A_2] : memref<16384xi32, #tpu.memory_space<hbm>> -> memref<512xi32, #tpu.memory_space<hbm>>
    tpu.wait_dma2 semaphore(%arg15 : memref<!tpu.dma_semaphore, #tpu.memory_space<semaphore_mem>>) src(%dma_wait3A_241 : memref<512xi32, #tpu.memory_space<hbm>>) dst(%arg8 : memref<512xi32, #tpu.memory_space<vmem>>)
    %dma_wait3A_242 = arith.constant 0 : i32
    %dma_wait3A_243 = tpu.memref_slice %arg3[%mul3A_5, %dma_wait3A_242] : memref<384x128xf32, #tpu.memory_space<hbm>> -> memref<12x128xf32, #tpu.memory_space<hbm>>
    %dma_wait3A_244 = arith.constant 0 : i32
    %dma_wait3A_245 = tpu.memref_slice %arg3[%mul3A_5, %dma_wait3A_244] : memref<384x128xf32, #tpu.memory_space<hbm>> -> memref<12x128xf32, #tpu.memory_space<hbm>>
    tpu.wait_dma2 semaphore(%arg15 : memref<!tpu.dma_semaphore, #tpu.memory_space<semaphore_mem>>) src(%dma_wait3A_245 : memref<12x128xf32, #tpu.memory_space<hbm>>) dst(%arg9 : memref<12x128xf32, #tpu.memory_space<vmem>>)
    %parallel_loop3A = arith.constant 0 : i32
    %parallel_loop3A_246 = arith.constant 32 : i32
    %parallel_loop3A_247 = arith.constant 1 : i32
    scf.for %parallel_loop3A_248 = %parallel_loop3A to %parallel_loop3A_246 step %parallel_loop3A_247  : i32 {
      %parallel_loop3A_249 = arith.constant 16 : i32
      %parallel_loop3A_250 = arith.muli %parallel_loop3A_248, %parallel_loop3A_249 : i32
      %parallel_loop3A_251 = vector.broadcast %parallel_loop3A_250 : i32 to vector<16xi32>
      %parallel_loop3A_252 = arith.addi %iota3A, %parallel_loop3A_251 : vector<16xi32>
      %parallel_loop3A_253 = arith.constant 16 : i32
      %parallel_loop3A_254 = arith.muli %parallel_loop3A_248, %parallel_loop3A_253 : i32
      %parallel_loop3A_255 = arith.index_cast %parallel_loop3A_254 : i32 to index
      %parallel_loop3A_256 = tpu.vector_load %arg8[%parallel_loop3A_255] {strides = array<i32>} : memref<512xi32, #tpu.memory_space<vmem>>, vector<16xi32>,
      %parallel_loop3A_257 = arith.constant 8 : i32
      %parallel_loop3A_258 = vector.broadcast %parallel_loop3A_257 : i32 to vector<16xi32>
      %parallel_loop3A_259 = arith.muli %parallel_loop3A_256, %parallel_loop3A_258 : vector<16xi32>
      %parallel_loop3A_260 = arith.constant 0 : i32
      %parallel_loop3A_261 = vector.broadcast %parallel_loop3A_260 : i32 to vector<16xi32>
      %parallel_loop3A_262 = arith.addi %parallel_loop3A_259, %parallel_loop3A_261 : vector<16xi32>
      %parallel_loop3A_263 = tpu.vector_load_idx %arg14[%parallel_loop3A_262] : memref<48xf32, #tpu.memory_space<vmem>>[vector<16xi32>], vector<16xf32>,
      %parallel_loop3A_264 = arith.constant 1 : i32
      %parallel_loop3A_265 = vector.broadcast %parallel_loop3A_264 : i32 to vector<16xi32>
      %parallel_loop3A_266 = arith.addi %parallel_loop3A_259, %parallel_loop3A_265 : vector<16xi32>
      %parallel_loop3A_267 = tpu.vector_load_idx %arg14[%parallel_loop3A_266] : memref<48xf32, #tpu.memory_space<vmem>>[vector<16xi32>], vector<16xf32>,
      %parallel_loop3A_268 = arith.constant 2 : i32
      %parallel_loop3A_269 = vector.broadcast %parallel_loop3A_268 : i32 to vector<16xi32>
      %parallel_loop3A_270 = arith.addi %parallel_loop3A_259, %parallel_loop3A_269 : vector<16xi32>
      %parallel_loop3A_271 = tpu.vector_load_idx %arg14[%parallel_loop3A_270] : memref<48xf32, #tpu.memory_space<vmem>>[vector<16xi32>], vector<16xf32>,
      %parallel_loop3A_272 = arith.constant 3 : i32
      %parallel_loop3A_273 = vector.broadcast %parallel_loop3A_272 : i32 to vector<16xi32>
      %parallel_loop3A_274 = arith.addi %parallel_loop3A_259, %parallel_loop3A_273 : vector<16xi32>
      %parallel_loop3A_275 = tpu.vector_load_idx %arg14[%parallel_loop3A_274] : memref<48xf32, #tpu.memory_space<vmem>>[vector<16xi32>], vector<16xf32>,
      %parallel_loop3A_276 = arith.constant 4 : i32
      %parallel_loop3A_277 = vector.broadcast %parallel_loop3A_276 : i32 to vector<16xi32>
      %parallel_loop3A_278 = arith.addi %parallel_loop3A_259, %parallel_loop3A_277 : vector<16xi32>
      %parallel_loop3A_279 = tpu.vector_load_idx %arg14[%parallel_loop3A_278] : memref<48xf32, #tpu.memory_space<vmem>>[vector<16xi32>], vector<16xf32>,
      %parallel_loop3A_280 = arith.constant 5 : i32
      %parallel_loop3A_281 = vector.broadcast %parallel_loop3A_280 : i32 to vector<16xi32>
      %parallel_loop3A_282 = arith.addi %parallel_loop3A_259, %parallel_loop3A_281 : vector<16xi32>
      %parallel_loop3A_283 = tpu.vector_load_idx %arg14[%parallel_loop3A_282] : memref<48xf32, #tpu.memory_space<vmem>>[vector<16xi32>], vector<16xf32>,
      %parallel_loop3A_284 = arith.constant 6 : i32
      %parallel_loop3A_285 = vector.broadcast %parallel_loop3A_284 : i32 to vector<16xi32>
      %parallel_loop3A_286 = arith.addi %parallel_loop3A_259, %parallel_loop3A_285 : vector<16xi32>
      %parallel_loop3A_287 = tpu.vector_load_idx %arg14[%parallel_loop3A_286] : memref<48xf32, #tpu.memory_space<vmem>>[vector<16xi32>], vector<16xf32>,
      %parallel_loop3A_288 = arith.constant 7 : i32
      %parallel_loop3A_289 = vector.broadcast %parallel_loop3A_288 : i32 to vector<16xi32>
      %parallel_loop3A_290 = arith.addi %parallel_loop3A_259, %parallel_loop3A_289 : vector<16xi32>
      %parallel_loop3A_291 = tpu.vector_load_idx %arg14[%parallel_loop3A_290] : memref<48xf32, #tpu.memory_space<vmem>>[vector<16xi32>], vector<16xf32>,
      %parallel_loop3A_292 = arith.constant 3 : i32
      %parallel_loop3A_293 = vector.broadcast %parallel_loop3A_292 : i32 to vector<16xi32>
      %parallel_loop3A_294 = arith.muli %parallel_loop3A_252, %parallel_loop3A_293 : vector<16xi32>
      %parallel_loop3A_295 = arith.constant 0 : i32
      %parallel_loop3A_296 = vector.broadcast %parallel_loop3A_295 : i32 to vector<16xi32>
      %parallel_loop3A_297 = arith.addi %parallel_loop3A_294, %parallel_loop3A_296 : vector<16xi32>
      %parallel_loop3A_298 = arith.constant 7 : i32
      %parallel_loop3A_299 = vector.broadcast %parallel_loop3A_298 : i32 to vector<16xi32>
      %parallel_loop3A_300 = arith.shrsi %parallel_loop3A_297, %parallel_loop3A_299 : vector<16xi32>
      %parallel_loop3A_301 = arith.constant 127 : i32
      %parallel_loop3A_302 = vector.broadcast %parallel_loop3A_301 : i32 to vector<16xi32>
      %parallel_loop3A_303 = arith.andi %parallel_loop3A_297, %parallel_loop3A_302 : vector<16xi32>
      %parallel_loop3A_304 = tpu.vector_load_idx %arg9[%parallel_loop3A_300, %parallel_loop3A_303] : memref<12x128xf32, #tpu.memory_space<vmem>>[vector<16xi32>, vector<16xi32>], vector<16xf32>,
      %parallel_loop3A_305 = arith.mulf %parallel_loop3A_304, %gather3A_125 : vector<16xf32>
      %parallel_loop3A_306 = arith.addf %parallel_loop3A_263, %parallel_loop3A_305 : vector<16xf32>
      %parallel_loop3A_307 = arith.mulf %parallel_loop3A_304, %gather3A_130 : vector<16xf32>
      %parallel_loop3A_308 = arith.addf %parallel_loop3A_267, %parallel_loop3A_307 : vector<16xf32>
      %parallel_loop3A_309 = arith.mulf %parallel_loop3A_304, %gather3A_135 : vector<16xf32>
      %parallel_loop3A_310 = arith.addf %parallel_loop3A_271, %parallel_loop3A_309 : vector<16xf32>
      %parallel_loop3A_311 = arith.mulf %parallel_loop3A_304, %gather3A_140 : vector<16xf32>
      %parallel_loop3A_312 = arith.addf %parallel_loop3A_275, %parallel_loop3A_311 : vector<16xf32>
      %parallel_loop3A_313 = arith.mulf %parallel_loop3A_304, %gather3A_145 : vector<16xf32>
      %parallel_loop3A_314 = arith.addf %parallel_loop3A_279, %parallel_loop3A_313 : vector<16xf32>
      %parallel_loop3A_315 = arith.mulf %parallel_loop3A_304, %gather3A_150 : vector<16xf32>
      %parallel_loop3A_316 = arith.addf %parallel_loop3A_283, %parallel_loop3A_315 : vector<16xf32>
      %parallel_loop3A_317 = arith.mulf %parallel_loop3A_304, %gather3A_155 : vector<16xf32>
      %parallel_loop3A_318 = arith.addf %parallel_loop3A_287, %parallel_loop3A_317 : vector<16xf32>
      %parallel_loop3A_319 = arith.mulf %parallel_loop3A_304, %gather3A_160 : vector<16xf32>
      %parallel_loop3A_320 = arith.addf %parallel_loop3A_291, %parallel_loop3A_319 : vector<16xf32>
      %parallel_loop3A_321 = arith.constant 1 : i32
      %parallel_loop3A_322 = vector.broadcast %parallel_loop3A_321 : i32 to vector<16xi32>
      %parallel_loop3A_323 = arith.addi %parallel_loop3A_294, %parallel_loop3A_322 : vector<16xi32>
      %parallel_loop3A_324 = arith.constant 7 : i32
      %parallel_loop3A_325 = vector.broadcast %parallel_loop3A_324 : i32 to vector<16xi32>
      %parallel_loop3A_326 = arith.shrsi %parallel_loop3A_323, %parallel_loop3A_325 : vector<16xi32>
      %parallel_loop3A_327 = arith.constant 127 : i32
      %parallel_loop3A_328 = vector.broadcast %parallel_loop3A_327 : i32 to vector<16xi32>
      %parallel_loop3A_329 = arith.andi %parallel_loop3A_323, %parallel_loop3A_328 : vector<16xi32>
      %parallel_loop3A_330 = tpu.vector_load_idx %arg9[%parallel_loop3A_326, %parallel_loop3A_329] : memref<12x128xf32, #tpu.memory_space<vmem>>[vector<16xi32>, vector<16xi32>], vector<16xf32>,
      %parallel_loop3A_331 = arith.mulf %parallel_loop3A_330, %gather3A_165 : vector<16xf32>
      %parallel_loop3A_332 = arith.addf %parallel_loop3A_306, %parallel_loop3A_331 : vector<16xf32>
      %parallel_loop3A_333 = arith.mulf %parallel_loop3A_330, %gather3A_170 : vector<16xf32>
      %parallel_loop3A_334 = arith.addf %parallel_loop3A_308, %parallel_loop3A_333 : vector<16xf32>
      %parallel_loop3A_335 = arith.mulf %parallel_loop3A_330, %gather3A_175 : vector<16xf32>
      %parallel_loop3A_336 = arith.addf %parallel_loop3A_310, %parallel_loop3A_335 : vector<16xf32>
      %parallel_loop3A_337 = arith.mulf %parallel_loop3A_330, %gather3A_180 : vector<16xf32>
      %parallel_loop3A_338 = arith.addf %parallel_loop3A_312, %parallel_loop3A_337 : vector<16xf32>
      %parallel_loop3A_339 = arith.mulf %parallel_loop3A_330, %gather3A_185 : vector<16xf32>
      %parallel_loop3A_340 = arith.addf %parallel_loop3A_314, %parallel_loop3A_339 : vector<16xf32>
      %parallel_loop3A_341 = arith.mulf %parallel_loop3A_330, %gather3A_190 : vector<16xf32>
      %parallel_loop3A_342 = arith.addf %parallel_loop3A_316, %parallel_loop3A_341 : vector<16xf32>
      %parallel_loop3A_343 = arith.mulf %parallel_loop3A_330, %gather3A_195 : vector<16xf32>
      %parallel_loop3A_344 = arith.addf %parallel_loop3A_318, %parallel_loop3A_343 : vector<16xf32>
      %parallel_loop3A_345 = arith.mulf %parallel_loop3A_330, %gather3A_200 : vector<16xf32>
      %parallel_loop3A_346 = arith.addf %parallel_loop3A_320, %parallel_loop3A_345 : vector<16xf32>
      %parallel_loop3A_347 = arith.constant 2 : i32
      %parallel_loop3A_348 = vector.broadcast %parallel_loop3A_347 : i32 to vector<16xi32>
      %parallel_loop3A_349 = arith.addi %parallel_loop3A_294, %parallel_loop3A_348 : vector<16xi32>
      %parallel_loop3A_350 = arith.constant 7 : i32
      %parallel_loop3A_351 = vector.broadcast %parallel_loop3A_350 : i32 to vector<16xi32>
      %parallel_loop3A_352 = arith.shrsi %parallel_loop3A_349, %parallel_loop3A_351 : vector<16xi32>
      %parallel_loop3A_353 = arith.constant 127 : i32
      %parallel_loop3A_354 = vector.broadcast %parallel_loop3A_353 : i32 to vector<16xi32>
      %parallel_loop3A_355 = arith.andi %parallel_loop3A_349, %parallel_loop3A_354 : vector<16xi32>
      %parallel_loop3A_356 = tpu.vector_load_idx %arg9[%parallel_loop3A_352, %parallel_loop3A_355] : memref<12x128xf32, #tpu.memory_space<vmem>>[vector<16xi32>, vector<16xi32>], vector<16xf32>,
      %parallel_loop3A_357 = arith.mulf %parallel_loop3A_356, %gather3A_205 : vector<16xf32>
      %parallel_loop3A_358 = arith.addf %parallel_loop3A_332, %parallel_loop3A_357 : vector<16xf32>
      %parallel_loop3A_359 = arith.mulf %parallel_loop3A_356, %gather3A_210 : vector<16xf32>
      %parallel_loop3A_360 = arith.addf %parallel_loop3A_334, %parallel_loop3A_359 : vector<16xf32>
      %parallel_loop3A_361 = arith.mulf %parallel_loop3A_356, %gather3A_215 : vector<16xf32>
      %parallel_loop3A_362 = arith.addf %parallel_loop3A_336, %parallel_loop3A_361 : vector<16xf32>
      %parallel_loop3A_363 = arith.mulf %parallel_loop3A_356, %gather3A_220 : vector<16xf32>
      %parallel_loop3A_364 = arith.addf %parallel_loop3A_338, %parallel_loop3A_363 : vector<16xf32>
      %parallel_loop3A_365 = arith.mulf %parallel_loop3A_356, %gather3A_225 : vector<16xf32>
      %parallel_loop3A_366 = arith.addf %parallel_loop3A_340, %parallel_loop3A_365 : vector<16xf32>
      %parallel_loop3A_367 = arith.mulf %parallel_loop3A_356, %gather3A_230 : vector<16xf32>
      %parallel_loop3A_368 = arith.addf %parallel_loop3A_342, %parallel_loop3A_367 : vector<16xf32>
      %parallel_loop3A_369 = arith.mulf %parallel_loop3A_356, %gather3A_235 : vector<16xf32>
      %parallel_loop3A_370 = arith.addf %parallel_loop3A_344, %parallel_loop3A_369 : vector<16xf32>
      %parallel_loop3A_371 = arith.mulf %parallel_loop3A_356, %gather3A_240 : vector<16xf32>
      %parallel_loop3A_372 = arith.addf %parallel_loop3A_346, %parallel_loop3A_371 : vector<16xf32>
      %parallel_loop3A_373 = arith.constant 0 : i32
      %parallel_loop3A_374 = vector.broadcast %parallel_loop3A_373 : i32 to vector<16xi32>
      %parallel_loop3A_375 = arith.constant 0.000000e+00 : f32
      %parallel_loop3A_376 = vector.broadcast %parallel_loop3A_375 : f32 to vector<16xf32>
      %parallel_loop3A_377 = arith.maximumf %parallel_loop3A_358, %parallel_loop3A_376 : vector<16xf32>
      tpu.vector_store_idx %arg10[%parallel_loop3A_252, %parallel_loop3A_374], %parallel_loop3A_377 : memref<512x8xf32, #tpu.memory_space<vmem>>[vector<16xi32>, vector<16xi32>], vector<16xf32>,
      %parallel_loop3A_378 = arith.constant 1 : i32
      %parallel_loop3A_379 = vector.broadcast %parallel_loop3A_378 : i32 to vector<16xi32>
      %parallel_loop3A_380 = arith.constant 0.000000e+00 : f32
      %parallel_loop3A_381 = vector.broadcast %parallel_loop3A_380 : f32 to vector<16xf32>
      %parallel_loop3A_382 = arith.maximumf %parallel_loop3A_360, %parallel_loop3A_381 : vector<16xf32>
      tpu.vector_store_idx %arg10[%parallel_loop3A_252, %parallel_loop3A_379], %parallel_loop3A_382 : memref<512x8xf32, #tpu.memory_space<vmem>>[vector<16xi32>, vector<16xi32>], vector<16xf32>,
      %parallel_loop3A_383 = arith.constant 2 : i32
      %parallel_loop3A_384 = vector.broadcast %parallel_loop3A_383 : i32 to vector<16xi32>
      %parallel_loop3A_385 = arith.constant 0.000000e+00 : f32
      %parallel_loop3A_386 = vector.broadcast %parallel_loop3A_385 : f32 to vector<16xf32>
      %parallel_loop3A_387 = arith.maximumf %parallel_loop3A_362, %parallel_loop3A_386 : vector<16xf32>
      tpu.vector_store_idx %arg10[%parallel_loop3A_252, %parallel_loop3A_384], %parallel_loop3A_387 : memref<512x8xf32, #tpu.memory_space<vmem>>[vector<16xi32>, vector<16xi32>], vector<16xf32>,
      %parallel_loop3A_388 = arith.constant 3 : i32
      %parallel_loop3A_389 = vector.broadcast %parallel_loop3A_388 : i32 to vector<16xi32>
      %parallel_loop3A_390 = arith.constant 0.000000e+00 : f32
      %parallel_loop3A_391 = vector.broadcast %parallel_loop3A_390 : f32 to vector<16xf32>
      %parallel_loop3A_392 = arith.maximumf %parallel_loop3A_364, %parallel_loop3A_391 : vector<16xf32>
      tpu.vector_store_idx %arg10[%parallel_loop3A_252, %parallel_loop3A_389], %parallel_loop3A_392 : memref<512x8xf32, #tpu.memory_space<vmem>>[vector<16xi32>, vector<16xi32>], vector<16xf32>,
      %parallel_loop3A_393 = arith.constant 4 : i32
      %parallel_loop3A_394 = vector.broadcast %parallel_loop3A_393 : i32 to vector<16xi32>
      %parallel_loop3A_395 = arith.constant 0.000000e+00 : f32
      %parallel_loop3A_396 = vector.broadcast %parallel_loop3A_395 : f32 to vector<16xf32>
      %parallel_loop3A_397 = arith.maximumf %parallel_loop3A_366, %parallel_loop3A_396 : vector<16xf32>
      tpu.vector_store_idx %arg10[%parallel_loop3A_252, %parallel_loop3A_394], %parallel_loop3A_397 : memref<512x8xf32, #tpu.memory_space<vmem>>[vector<16xi32>, vector<16xi32>], vector<16xf32>,
      %parallel_loop3A_398 = arith.constant 5 : i32
      %parallel_loop3A_399 = vector.broadcast %parallel_loop3A_398 : i32 to vector<16xi32>
      %parallel_loop3A_400 = arith.constant 0.000000e+00 : f32
      %parallel_loop3A_401 = vector.broadcast %parallel_loop3A_400 : f32 to vector<16xf32>
      %parallel_loop3A_402 = arith.maximumf %parallel_loop3A_368, %parallel_loop3A_401 : vector<16xf32>
      tpu.vector_store_idx %arg10[%parallel_loop3A_252, %parallel_loop3A_399], %parallel_loop3A_402 : memref<512x8xf32, #tpu.memory_space<vmem>>[vector<16xi32>, vector<16xi32>], vector<16xf32>,
      %parallel_loop3A_403 = arith.constant 6 : i32
      %parallel_loop3A_404 = vector.broadcast %parallel_loop3A_403 : i32 to vector<16xi32>
      %parallel_loop3A_405 = arith.constant 0.000000e+00 : f32
      %parallel_loop3A_406 = vector.broadcast %parallel_loop3A_405 : f32 to vector<16xf32>
      %parallel_loop3A_407 = arith.maximumf %parallel_loop3A_370, %parallel_loop3A_406 : vector<16xf32>
      tpu.vector_store_idx %arg10[%parallel_loop3A_252, %parallel_loop3A_404], %parallel_loop3A_407 : memref<512x8xf32, #tpu.memory_space<vmem>>[vector<16xi32>, vector<16xi32>], vector<16xf32>,
      %parallel_loop3A_408 = arith.constant 7 : i32
      %parallel_loop3A_409 = vector.broadcast %parallel_loop3A_408 : i32 to vector<16xi32>
      %parallel_loop3A_410 = arith.constant 0.000000e+00 : f32
      %parallel_loop3A_411 = vector.broadcast %parallel_loop3A_410 : f32 to vector<16xf32>
      %parallel_loop3A_412 = arith.maximumf %parallel_loop3A_372, %parallel_loop3A_411 : vector<16xf32>
      tpu.vector_store_idx %arg10[%parallel_loop3A_252, %parallel_loop3A_409], %parallel_loop3A_412 : memref<512x8xf32, #tpu.memory_space<vmem>>[vector<16xi32>, vector<16xi32>], vector<16xf32>,
    } {sc.loop_unroll_factor = 1 : i64, sc.parallel_access}
    "tpu.region"() ({
      %run_scoped3A = tpu.sem_alloc : memref<!tpu.dma_semaphore, #tpu.memory_space<semaphore_mem>>
      %dma_start3A_248 = arith.constant 0 : i32
      %dma_start3A_249 = tpu.memref_slice %arg7[%mul3A_2, %dma_start3A_248] : memref<16384x8xf32, #tpu.memory_space<hbm>> -> memref<512x8xf32, #tpu.memory_space<hbm>>
      %dma_start3A_250 = arith.constant 0 : i32
      %dma_start3A_251 = tpu.memref_slice %arg7[%mul3A_2, %dma_start3A_250] : memref<16384x8xf32, #tpu.memory_space<hbm>> -> memref<512x8xf32, #tpu.memory_space<hbm>>
      tpu.enqueue_dma source(%arg10 : memref<512x8xf32, #tpu.memory_space<vmem>>) target(%dma_start3A_251 : memref<512x8xf32, #tpu.memory_space<hbm>>) target_semaphore(%run_scoped3A : memref<!tpu.dma_semaphore, #tpu.memory_space<semaphore_mem>>)
      %dma_wait3A_252 = arith.constant 0 : i32
      %dma_wait3A_253 = tpu.memref_slice %arg7[%mul3A_2, %dma_wait3A_252] : memref<16384x8xf32, #tpu.memory_space<hbm>> -> memref<512x8xf32, #tpu.memory_space<hbm>>
      %dma_wait3A_254 = arith.constant 0 : i32
      %dma_wait3A_255 = tpu.memref_slice %arg7[%mul3A_2, %dma_wait3A_254] : memref<16384x8xf32, #tpu.memory_space<hbm>> -> memref<512x8xf32, #tpu.memory_space<hbm>>
      tpu.wait_dma2 semaphore(%run_scoped3A : memref<!tpu.dma_semaphore, #tpu.memory_space<semaphore_mem>>) src(%arg10 : memref<512x8xf32, #tpu.memory_space<vmem>>) dst(%dma_wait3A_255 : memref<512x8xf32, #tpu.memory_space<hbm>>)
      tpu.yield
    }) : () -> ()
    return
  }
}

</mosaic_0001>

<sc_bundles>
// kernel: _run.3.cloned.1.call-start
scs
__scs_entry_jumppad:
0x0: {  	(pc) =	sbr.rel $0x88, $3  }
0x1: {  	(tag) =	ssettag $0x0;
	lr =	simm.s32 $0x1  }
0x2: {  	[smem:$0x3F9C] =	sst lr;
	_ =	strace $0xD0000000  }
0x3: {  	_ = 	snop  }
0x4: {  	_ = 	snop  }
0x5: {  	_ = 	snop  }
0x6: {  	_ = 	snop  }
0x7: {  	_ = 	snop  }
__scs_overlays_trampoline_lowered:
0x8: {  	[smem:$0x3FAB] =	sst s0  }
0x9: {  	[smem:$0x3FAC] =	sst s1  }
0xa: {  	[smem:$0x3FAD] =	sst s2  }
0xb: {  	[smem:$0x3FAE] =	sst s3  }
0xc: {  	[smem:$0x3FAF] =	sst s4  }
0xd: {  	[smem:$0x3FB0] =	sst s5  }
0xe: {  	[smem:$0x3FB1] =	sst s6  }
0xf: {  	[smem:$0x3FB2] =	sst s7  }
0x10: {  	[smem:$0x3FB3] =	sst s8  }
0x11: {  	[smem:$0x3FB4] =	sst s9;
	s0 =	simm.s32 @!p0 $0x0  }
0x12: {  	s1 =	sld [smem:$0x3F9A];
	s0 =	simm.s32 @p0 $0x1  }
0x13: {  	[smem:$0x3FB5] =	sst s0;
	s0 =	simm.s32 @!p1 $0x0  }
0x14: {  	s2 =	sld [smem:$0x3F99];
	s0 =	simm.s32 @p1 $0x1  }
0x15: {  	[smem:$0x3FB6] =	sst s0;
	s0 =	simm.s32 @!p2 $0x0  }
0x16: {  	s3 =	sld [smem:$0x3FDB];
	s0 =	simm.s32 @p2 $0x1  }
0x17: {  	s4 =	simm.s32 $0x1BF5;
	[smem:$0x3FB8] =	sst s0  }
0x18: {  	s0 =	sld [smem:$0x3F9B];
	_ =	swait.ge [sflag:s4], $0x0  }
0x19: {  	s7 =	sld [smem:$0x3F9C]  }
0x1a: {  	s8 =	sadd.s32 $0xFFFFE003, lr  }
0x1b: {  	s9 =	sadd.s32 $0xFFFFFEF7, lr;
	s5 =	simm.s32 $0xFFFFFFFF;
	p2 =	slt.u32 s8, $0xFFFFF086  }
0x1c: {  	p1 =	slt.u32 s9, $0xF7A;
	s5 =	simm.s32 @!p2 $0x0  }
0x1d: {  	s5 =	simm.s32 @p1 $0x1;
	p0 =	seq.s32 s7, s2  }
0x1e: {  	s7 =	smul.u32 @!p0 $0xF7A, s2;
	p2 =	seq.s32 @!p0 s5, $0x0  }
0x1f: {  	s9 =	smul.u32 $0xF7A, s1;
	s8 =	simm.s32 @!p0 $0x1BF5;
	p2 =	por !p2, p0  }
0x20: {  	[sflag:s8] =	ssyncset.s32 @!p0 $0xFFFFF086;
	s6 =	sadd.s32 @!p0 s3, s7;
	s7 =	simm.s32 @!p0 $0x108  }
0x21: {  	s3 =	sadd.s32 s3, s9;
	s6 =	sadd.s32 @!p0 $0x88, s6;
	s7 =	simm.s32 @p2 $0x1082  }
0x22: {  	[simem:s7], [sflag:s8] =	dma.local @!p0 [hbm:s6], $0xF7A  }
0x23: {  	s9 =	sor.u32 $0xD0000000, s2;
	s6 =	simm.s32 $0x108;
	_ =	swait.ge @!p0 [sflag:s8], $0x0  }
0x24: {  	s3 =	sadd.s32 $0x88, s3;
	s6 =	simm.s32 @!p1 $0x1082;
	[sflag:s4] =	ssyncset.s32 $0xFFFFF086  }
0x25: {  	[simem:s6], [sflag:s4] =	dma.local [hbm:s3], $0xF7A  }
0x26: {  	[smem:$0x3F9C] =	sst s1;
	(tag) =	ssettag s2;
	_ =	strace s9  }
0x27: {  	s1 =	sld [smem:$0x3FAC]  }
0x28: {  	s2 =	sld [smem:$0x3FAD]  }
0x29: {  	s4 =	sld [smem:$0x3FAF]  }
0x2a: {  	p0 =	seq.s32 s5, $0x0;
	s5 =	sld [smem:$0x3FB0]  }
0x2b: {  	s6 =	sld [smem:$0x3FB1]  }
0x2c: {  	s7 =	sld [smem:$0x3FB2]  }
0x2d: {  	s3 =	simm.s32 $0x108;
	s8 =	sld [smem:$0x3FB3]  }
0x2e: {  	s3 =	simm.s32 @!p0 $0x1082;
	s9 =	sld [smem:$0x3FB4]  }
0x2f: {  	lr =	sadd.s32 s0, s3;
	s0 =	sld [smem:$0x3FAB]  }
0x30: {  	s3 =	sld [smem:$0x3FAE]  }
0x31: {  	[smem:$0x3FB7] =	sst s10  }
0x32: {  	s10 =	sld [smem:$0x3FB5];
	_ =	sdelay $0x3  }
0x33: {  	p0 =	seq.s32 s10, $0x1;
	s10 =	sld [smem:$0x3FB7];
	_ =	sdelay $0x3  }
0x34: {  	[smem:$0x3FB7] =	sst s10  }
0x35: {  	s10 =	sld [smem:$0x3FB6];
	_ =	sdelay $0x3  }
0x36: {  	p1 =	seq.s32 s10, $0x1;
	s10 =	sld [smem:$0x3FB7];
	_ =	sdelay $0x3  }
0x37: {  	[smem:$0x3FB7] =	sst s10  }
0x38: {  	s10 =	sld [smem:$0x3FB8]  }
0x39: {  	_ = 	snop;
	(pc) =	sbr.ind lr, $3  }
0x3a: {  	_ = 	snop  }
0x3b: {  	_ = 	snop  }
0x3c: {  	p2 =	seq.s32 s10, $0x1;
	s10 =	sld [smem:$0x3FB7]  }
0x3d: {  	_ =	shalt  }
0x3e: {  	_ =	shalt  }
0x3f: {  	_ =	shalt  }
0x40: {  	_ =	shalt  }
0x41: {  	_ =	shalt  }
0x42: {  	_ =	shalt  }
0x43: {  	_ =	shalt  }
0x44: {  	_ =	shalt  }
0x45: {  	_ =	shalt  }
0x46: {  	_ =	shalt  }
0x47: {  	_ =	shalt  }
0x48: {  	_ =	shalt  }
0x49: {  	_ =	shalt  }
0x4a: {  	_ =	shalt  }
0x4b: {  	_ =	shalt  }
0x4c: {  	_ =	shalt  }
0x4d: {  	_ =	shalt  }
0x4e: {  	_ =	shalt  }
0x4f: {  	_ =	shalt  }
0x50: {  	_ =	shalt  }
0x51: {  	_ =	shalt  }
0x52: {  	_ =	shalt  }
0x53: {  	_ =	shalt  }
0x54: {  	_ =	shalt  }
0x55: {  	_ =	shalt  }
0x56: {  	_ =	shalt  }
0x57: {  	_ =	shalt  }
0x58: {  	_ =	shalt  }
0x59: {  	_ =	shalt  }
0x5a: {  	_ =	shalt  }
0x5b: {  	_ =	shalt  }
0x5c: {  	_ =	shalt  }
0x5d: {  	_ =	shalt  }
0x5e: {  	_ =	shalt  }
0x5f: {  	_ =	shalt  }
0x60: {  	_ =	shalt  }
0x61: {  	_ =	shalt  }
0x62: {  	_ =	shalt  }
0x63: {  	_ =	shalt  }
0x64: {  	_ =	shalt  }
0x65: {  	_ =	shalt  }
0x66: {  	_ =	shalt  }
0x67: {  	_ =	shalt  }
0x68: {  	_ =	shalt  }
0x69: {  	_ =	shalt  }
0x6a: {  	_ =	shalt  }
0x6b: {  	_ =	shalt  }
0x6c: {  	_ =	shalt  }
0x6d: {  	_ =	shalt  }
0x6e: {  	_ =	shalt  }
0x6f: {  	_ =	shalt  }
0x70: {  	_ =	shalt  }
0x71: {  	_ =	shalt  }
0x72: {  	_ =	shalt  }
0x73: {  	_ =	shalt  }
0x74: {  	_ =	shalt  }
0x75: {  	_ =	shalt  }
0x76: {  	_ =	shalt  }
0x77: {  	_ =	shalt  }
0x78: {  	_ =	shalt  }
0x79: {  	_ =	shalt  }
0x7a: {  	_ =	shalt  }
0x7b: {  	_ =	shalt  }
0x7c: {  	_ =	shalt  }
0x7d: {  	_ =	shalt  }
0x7e: {  	_ =	shalt  }
0x7f: {  	_ =	shalt  }
0x80: {  	_ =	shalt  }
0x81: {  	_ =	shalt  }
0x82: {  	_ =	shalt  }
0x83: {  	_ =	shalt  }
0x84: {  	_ =	shalt  }
0x85: {  	_ =	shalt  }
0x86: {  	_ =	shalt  }
0x87: {  	_ =	shalt  }
.Lfunc_end0:
.L_simem_size_0:
called_computation_lowered:
.L_overlay_start_0:
0x88: {  	s2 =	sld [smem:$0x3FD9]  }
0x89: {  	s3 =	sld [smem:$0x3FFE];
	_ =	sdelay $0x1  }
0x8a: {  	s1 =	srdreg.scid  }
0x8b: {  	s0 =	sand.u32 $0x1, s1  }
0x8c: {  	s17 =	sshll.u32 s0, $0xA;
	s2 =	sadd.s32 s3, s2  }
0x8d: {  	s2 =	sadd.s32 s2, s17  }
0x8e: {  	[smem:$0x3FC3] =	sst s2  }
0x8f: {  	_ = 	snop  }
0x90: {  	s2 =	sld [smem:$0x3FC9]  }
0x91: {  	s18 =	sld [smem:$0x3FC5]  }
0x92: {  	s4 =	sld [smem:$0x3FD0];
	(tm) =	ssettm $0x1  }
0x93: {  	s5 =	sld [smem:$0x3FFB];
	_ =	sdelay $0x3  }
0x94: {  	_ =	strace s5  }
0x95: {  	s5 =	sld [smem:$0x3FFC];
	_ =	sdelay $0x3  }
0x96: {  	_ =	strace s5  }
0x97: {  	s5 =	sld [smem:$0x3FFD];
	_ =	sdelay $0x3  }
0x98: {  	_ =	strace s5  }
0x99: {  	_ =	strace $0x8FFFFFFF  }
0x9a: {  	s19 =	sld [smem:$0x3FDB];
	_ =	sdelay $0x1  }
0x9b: {  	s6 =	simm.s32 $_scs_section_size  }
0x9c: {  	s7 =	simm.s32 $_size__tile_overlayer_lowered;
	s8 =	simm.s32 $_tile_overlayer_lowered  }
0x9d: {  	s22 =	simm.s32 $0x1BFF;
	s21 =	sshll.u32 s8, $0x1;
	s5 =	sadd.s32 s6, s19  }
0x9e: {  	s9 =	simm.s32 $0x0;
	s20 =	sshll.u32 s7, $0x1;
	s7 =	sadd.s32 s21, s5  }
0x9f: {  	[timem:s9], [sflag:s22] =	dma.local [hbm:s7], s20  }
0xa0: {  	_ =	swait.ge [sflag:s22], s20  }
0xa1: {  	s6 =	ssub.s32 $0x0, s20;
	[sflag:s22] =	ssyncset.done $0x0  }
0xa2: {  	[sflag:s22] =	ssyncadd.s32 s6;
	_ =	sdelay $0x1  }
0xa3: {  	s23 =	simm.s32 $0x1B8B  }
0xa4: {  	_ =	swait.ge [sflag:s23], $0x1  }
0xa5: {  	[sflag:s23] =	ssyncset.done $0x0  }
0xa6: {  	s25 =	simm.s32 $0x1B8E;
	s24 =	sld [smem:$0x3FFE];
	[sflag:s23] =	ssyncadd.s32 $0xFFFFFFFF  }
0xa7: {  	s26 =	simm.s32 $execute0_lowered;
	[smem:$0x3FD2] =	sst s25  }
0xa8: {  	s7 =	sshll.u32 s26, $0x1;
	_ =	strace $0x80000046;
	[dreg:$0x1] =	wrdreg $0xFFFFFFFF  }
0xa9: {  	s28 =	simm.s32 $_size_execute0_lowered;
	s5 =	sadd.s32 s5, s7;
	[dreg:$0x0] =	wrdreg $0x0  }
0xaa: {  	s7 =	sshll.u32 s28, $0x1;
	[dreg:$0x2] =	wrdreg s5  }
0xab: {  	[dreg:$0x3] =	wrdreg s7  }
0xac: {  	[dreg:$0x4] =	wrdreg $0xC0  }
0xad: {  	_ =	task [dreg:s9], $0x5FFFF  }
0xae: {  	[dreg:$0x1] =	wrdreg $0xFFFFFFFF  }
0xaf: {  	[dreg:$0x0] =	wrdreg $0x60  }
0xb0: {  	[dreg:$0x2] =	wrdreg s2  }
0xb1: {  	[dreg:$0x3] =	wrdreg s24  }
0xb2: {  	[dreg:$0x4] =	wrdreg s18  }
0xb3: {  	[dreg:$0x5] =	wrdreg s4  }
0xb4: {  	[dreg:$0x6] =	wrdreg $0x9  }
0xb5: {  	_ =	task.clear_ibuf [dreg:s9], $0x7FFFF;
	_ =	strace $0x90000046  }
0xb6: {  	s29 =	simm.s32 $0x9;
	_ =	strace $0x80000048  }
0xb7: {  	_ =	swait.ge [sflag:s29], $0x1  }
0xb8: {  	[sflag:s29] =	ssyncadd.s32 $0xFFFFFFFF  }
0xb9: {  	_ =	strace $0x90000048  }
0xba: {  	_ =	sfence  }
0xbb: {  	s30 =	sld [smem:$0x0];
	_ =	sdelay $0x2  }
0xbc: {  	s31 =	sshll.u32 s1, $0xD;
	s1 =	sshrl.u32 s1, $0x2  }
0xbd: {  	s3 =	sand.u32 $0x4000, s31;
	s1 =	sadd.s32 s1, s30  }
0xbe: {  	s0 =	sor.u32 s3, s0;
	s1 =	sshll.u32 s1, $0x11  }
0xbf: {  	s0 =	sor.u32 s1, s0  }
0xc0: {  	s0 =	sadd.s32 $0x8F2B, s0  }
0xc1: {  	[sflag:s0] =	ssyncadd.remote.s32 $0x1  }
0xc2: {  	_ =	sfence.sel $0xFFFF  }
0xc3: {  	[dreg:$0x0] =	wrdreg $0xFFFFFFFF;
	(pc) =	sbr.abs _section_cstart, $3  }
0xc4: {  	[dreg:$0x1] =	wrdreg $0xFFFFFFFF  }
0xc5: {  	_ =	task.clear_ibuf [dreg:s9], $0x2FFFF;
	_ =	strace $0x9FFFFFFF  }
0xc6: {  	(tm) =	ssettm $0x7FFFFFFF  }
0xc7: {  	_ =	shalt  }
tec
execute0_lowered:
.L_overlay_start_1:
0x0: {  	(tag) =	ssettag $0x1  }
0x1: {  	v0 =	vlaneseq.u32  }
0x2: {  	v1 =	vshrl.u32 v0, $0x3  }
0x3: {  	s6 =	rddreg [dreg:$0x0];
	v1 =	vmul.u32 $0x8, v1  }
0x4: {  	s5 =	rddreg [dreg:$0x1]  }
0x5: {  	s1 =	rddreg [dreg:$0x2];
	s2 =	srdreg.scid;
	v2 =	vand.u32 $0x7, v0;
	v3 =	vor.u32 $0x1, v1;
	[tilespmem:$0x1FFE0] =	vst v1  }
0x6: {  	s0 =	stileid.u32;
	s8 =	rddreg [dreg:$0x3];
	[tilespmem:$0x1FF50] =	vst v3;
	v3 =	vor.u32 $0x8, v2  }
0x7: {  	s3 =	simm.s32 $0x0;
	s12 =	simm.s32 $0x1828;
	s13 =	simm.s32 $0x1860;
	[tilespmem:$0x1FF60] =	vst v3;
	v3 =	vor.u32 $0x2, v1  }
0x8: {  	s14 =	simm.s32 $0x2;
	s15 =	simm.s32 $0x1;
	s16 =	simm.s32 $0x1868;
	[tilespmem:$0x1FF70] =	vst v3;
	v3 =	vor.u32 $0x10, v2  }
0x9: {  	s17 =	simm.s32 $0x800;
	s18 =	simm.s32 $0x3;
	s19 =	simm.s32 $0x0;
	[tilespmem:$0x1FF80] =	vst v3;
	v3 =	vor.u32 $0x3, v1  }
0xa: {  	s4 =	sand.u32 $0x1, s2;
	s7 =	sshll.u32 s0, $0x1;
	s2 =	rddreg [dreg:$0x4];
	[tilespmem:$0x1FF90] =	vst v3;
	v3 =	vor.u32 $0x18, v0  }
0xb: {  	[smem:$0x7FF] =	sst s3;
	s9 =	sor.u32 s4, s7;
	s10 =	ssub.s32 $0x2, s4;
	[tilespmem:$0x1FFA0] =	vst v3;
	v3 =	vor.u32 $0x10, v1  }
0xc: {  	s4 =	sadd.s32 $0x600, s5;
	s7 =	smul.u32 $0xC0, s9;
	s11 =	sshrl.u32 s10, $0x1;
	[tilespmem:$0x1FFB0] =	vst v3;
	v3 =	vor.u32 $0x11, v1  }
0xd: {  	s31 =	sshll.u32 s9, $0x6;
	s9 =	sshll.u32 s9, $0x9;
	s10 =	ssub.s32 s10, s11;
	[tilespmem:$0x1FFC0] =	vst v3;
	v3 =	vor.u32 $0x12, v1  }
0xe: {  	s6 =	sadd.s32 s6, s31;
	s8 =	sadd.s32 s8, s9;
	s11 =	simm.s32 $0x1800;
	v1 =	vor.u32 $0x13, v1;
	[tilespmem:$0x1FFD0] =	vst v3  }
0xf: {  	s7 =	sadd.s32 s7, s5;
	s5 =	sadd.s32 $0x400, s5;
	s9 =	smax.u32 s10, $0x1;
	[tilespmem:$0x1FFF0] =	vst v1  }
0x10: {  	s10 =	simm.s32 $0x200;
	s7 =	sadd.s32 $0x800, s7;
	_ =	strace $0x80000047  }
.LBB2_1:
0x11: {  	[tilespmem:s3], [sflag:$0x1] =	stream.linear.gather [hbm4b:s6+s3], $0x200, $0x38;
	[tilespmem:$0x1898] =	vst v63  }
0x12: {  	_ = 	snop  }
0x13: {  	[tilespmem:s10], [sflag:$0x1] =	stream.linear.gather [hbm4b:s7+s3], $0x600, $0x38;
	[tilespmem:$0x1898] =	vst v63  }
0x14: {  	_ = 	snop  }
0x15: {  	[tilespmem:s11], [sflag:$0x2] =	stream.linear.gather [hbm4b:s4+s3], $0x28, $0x38;
	[tilespmem:$0x1898] =	vst v63  }
0x16: {  	_ = 	snop  }
0x17: {  	[tilespmem:s12], [sflag:$0x2] =	stream.linear.gather [hbm4b:s5+s3], $0x38, $0x38;
	[tilespmem:$0x1898] =	vst v63  }
0x18: {  	_ = 	snop  }
0x19: {  	[tilespmem:s13], [sflag:$0x2] =	stream.linear.gather [hbm4b:s1+s3], $0x8, $0x38;
	[tilespmem:$0x1898] =	vst v63  }
0x1a: {  	_ =	swait.ge [sflag:s14], $0x28  }
0x1b: {  	[sflag:s14] =	ssyncset.done $0x0  }
0x1c: {  	[sflag:s14] =	ssyncadd.s32 $0xFFFFFFD8  }
0x1d: {  	_ =	swait.ge [sflag:s14], $0x38  }
0x1e: {  	[sflag:s14] =	ssyncset.done $0x0  }
0x1f: {  	[sflag:s14] =	ssyncadd.s32 $0xFFFFFFC8  }
0x20: {  	_ =	swait.ge [sflag:s14], $0x8  }
0x21: {  	v1 =	vld [tilespmem:$0x1FFE0];
	_ =	sdelay $0x5  }
0x22: {  	[sflag:s14] =	ssyncset.done $0x0  }
0x23: {  	[sflag:s14] =	ssyncadd.s32 $0xFFFFFFF8  }
0x24: {  	v5 =	vld.idx.msk [tilespmem:v1+s11+$0x0], $0xffff  }
0x25: {  	v1 =	vld [tilespmem:$0x1FF50];
	_ =	sdelay $0x1  }
0x26: {  	v4 =	vld [tilespmem:$0x1FF70];
	_ =	sdelay $0x1  }
0x27: {  	v6 =	vld [tilespmem:$0x1FF90];
	_ =	sdelay $0x2  }
0x28: {  	v7 =	vld.idx.msk [tilespmem:v2+s12+$0x0], $0xffff  }
0x29: {  	v9 =	vld.idx.msk [tilespmem:v1+s11+$0x0], $0xffff  }
0x2a: {  	v1 =	vld [tilespmem:$0x1FF60]  }
0x2b: {  	v11 =	vld.idx.msk [tilespmem:v4+s11+$0x0], $0xffff  }
0x2c: {  	v4 =	vld [tilespmem:$0x1FF80]  }
0x2d: {  	v5 =	vmul.f32 v7, v5;
	v7 =	vld.idx.msk [tilespmem:v6+s11+$0x0], $0xffff  }
0x2e: {  	v6 =	vld [tilespmem:$0x1FFA0];
	_ =	sdelay $0x2  }
0x2f: {  	v3 =	vld.idx.msk [tilespmem:v2+s13+$0x0], $0xffff  }
0x30: {  	v10 =	vld.idx.msk [tilespmem:v1+s12+$0x0], $0xffff;
	_ =	sdelay $0x1  }
0x31: {  	v13 =	vld.idx.msk [tilespmem:v4+s12+$0x0], $0xffff;
	_ =	sdelay $0x1  }
0x32: {  	v14 =	vld.idx.msk [tilespmem:v6+s12+$0x0], $0xffff  }
0x33: {  	v3 =	vadd.f32 v5, v3;
	v5 =	vmul.f32 v10, v9;
	_ =	sdelay $0x1  }
0x34: {  	v3 =	vadd.f32 v5, v3;
	v5 =	vmul.f32 v13, v11;
	_ =	sdelay $0x1  }
0x35: {  	v3 =	vadd.f32 v5, v3;
	v5 =	vmul.f32 v14, v7;
	_ =	sdelay $0x1  }
0x36: {  	v3 =	vadd.f32 v5, v3;
	v5 =	vld [tilespmem:$0x1FFB0];
	_ =	sdelay $0x1  }
0x37: {  	v8 =	vld [tilespmem:$0x1FFC0];
	_ =	sdelay $0x3  }
0x38: {  	[tilespmem:$0x1868] =	vst v3  }
0x39: {  	v7 =	vld.idx.msk [tilespmem:v2+s12+$0x0], $0xffff  }
0x3a: {  	v5 =	vld.idx.msk [tilespmem:v5+s11+$0x0], $0xffff;
	_ =	sdelay $0x1  }
0x3b: {  	v9 =	vld.idx.msk [tilespmem:v8+s11+$0x0], $0xffff  }
0x3c: {  	v8 =	vld [tilespmem:$0x1FFD0];
	_ =	sdelay $0x1  }
0x3d: {  	v5 =	vmul.f32 v7, v5;
	v7 =	vld [tilespmem:$0x1FFF0];
	_ =	sdelay $0x2  }
0x3e: {  	v3 =	vld.idx.msk [tilespmem:v2+s13+$0x0], $0xffff  }
0x3f: {  	v10 =	vld.idx.msk [tilespmem:v1+s12+$0x0], $0xffff  }
0x40: {  	v13 =	vld.idx.msk [tilespmem:v4+s12+$0x0], $0xffff  }
0x41: {  	v11 =	vld.idx.msk [tilespmem:v8+s11+$0x0], $0xffff  }
0x42: {  	v14 =	vld.idx.msk [tilespmem:v6+s12+$0x0], $0xffff  }
0x43: {  	v7 =	vld.idx.msk [tilespmem:v7+s11+$0x0], $0xffff  }
0x44: {  	v3 =	vadd.f32 v5, v3;
	v5 =	vmul.f32 v10, v9;
	_ =	sdelay $0x1  }
0x45: {  	v3 =	vadd.f32 v5, v3;
	v5 =	vmul.f32 v13, v11;
	_ =	sdelay $0x1  }
0x46: {  	v3 =	vadd.f32 v5, v3;
	v5 =	vmul.f32 v14, v7  }
0x47: {  	v8 =	vimm.s32 $0x20  }
0x48: {  	v3 =	vadd.f32 v5, v3;
	_ =	sdelay $0x1  }
0x49: {  	[tilespmem:$0x1878] =	vst v3  }
0x4a: {  	v12 =	vimm.s32 $0x21;
	v3 =	vld.idx.msk [tilespmem:v2+s13+$0x0], $0xffff  }
0x4b: {  	v5 =	vld.idx.msk [tilespmem:v8+s11+$0x0], $0xffff  }
0x4c: {  	v10 =	vld.idx.msk [tilespmem:v1+s12+$0x0], $0xffff;
	v1 =	vimm.s32 $0x22  }
0x4d: {  	v7 =	vld.idx.msk [tilespmem:v2+s12+$0x0], $0xffff  }
0x4e: {  	v13 =	vld.idx.msk [tilespmem:v4+s12+$0x0], $0xffff;
	v4 =	vimm.s32 $0x23  }
0x4f: {  	v9 =	vld.idx.msk [tilespmem:v12+s11+$0x0], $0xffff;
	_ =	sdelay $0x1  }
0x50: {  	v11 =	vld.idx.msk [tilespmem:v1+s11+$0x0], $0xffff  }
0x51: {  	v14 =	vld.idx.msk [tilespmem:v6+s12+$0x0], $0xffff;
	v5 =	vmul.f32 v7, v5  }
0x52: {  	v7 =	vld.idx.msk [tilespmem:v4+s11+$0x0], $0xffff  }
0x53: {  	v3 =	vadd.f32 v5, v3;
	v5 =	vmul.f32 v10, v9;
	_ =	sdelay $0x1  }
0x54: {  	v3 =	vadd.f32 v5, v3;
	v5 =	vmul.f32 v13, v11;
	_ =	sdelay $0x1  }
0x55: {  	v3 =	vadd.f32 v5, v3;
	v5 =	vmul.f32 v14, v7;
	_ =	sdelay $0x1  }
0x56: {  	v3 =	vadd.f32 v5, v3;
	_ =	sdelay $0x1  }
0x57: {  	[tilespmem:$0x1888] =	vst v3  }
0x58: {  	v50 =	vld.idx.msk [tilespmem:v1+s12+$0x0], $0xffff;
	v1 =	vimm.s32 $0x24;
	_ =	sdelay $0x4  }
0x59: {  	v45 =	vld.idx.msk [tilespmem:v1+s12+$0x0], $0xffff;
	v1 =	vimm.s32 $0x25;
	_ =	sdelay $0x4  }
0x5a: {  	v48 =	vld.idx.msk [tilespmem:v1+s12+$0x0], $0xffff;
	v1 =	vimm.s32 $0x26;
	_ =	sdelay $0x4  }
0x5b: {  	v57 =	vld.idx.msk [tilespmem:v1+s12+$0x0], $0xffff;
	v1 =	vimm.s32 $0x27;
	_ =	sdelay $0x4  }
0x5c: {  	v38 =	vld.idx.msk [tilespmem:v1+s12+$0x0], $0xffff;
	v1 =	vimm.s32 $0x28;
	_ =	sdelay $0x4  }
0x5d: {  	v40 =	vld.idx.msk [tilespmem:v1+s12+$0x0], $0xffff;
	v1 =	vimm.s32 $0x29;
	_ =	sdelay $0x4  }
0x5e: {  	v42 =	vld.idx.msk [tilespmem:v1+s12+$0x0], $0xffff;
	v1 =	vimm.s32 $0x2A;
	_ =	sdelay $0x4  }
0x5f: {  	v59 =	vld.idx.msk [tilespmem:v1+s12+$0x0], $0xffff;
	v1 =	vimm.s32 $0x2B;
	_ =	sdelay $0x4  }
0x60: {  	v56 =	vld.idx.msk [tilespmem:v1+s12+$0x0], $0xffff;
	v1 =	vimm.s32 $0x2C;
	_ =	sdelay $0x4  }
0x61: {  	v54 =	vld.idx.msk [tilespmem:v1+s12+$0x0], $0xffff;
	v1 =	vimm.s32 $0x2D;
	_ =	sdelay $0x4  }
0x62: {  	v46 =	vld.idx.msk [tilespmem:v1+s12+$0x0], $0xffff;
	v1 =	vimm.s32 $0x2E;
	_ =	sdelay $0x4  }
0x63: {  	v58 =	vld.idx.msk [tilespmem:v1+s12+$0x0], $0xffff;
	v1 =	vimm.s32 $0x2F;
	_ =	sdelay $0x4  }
0x64: {  	v60 =	vld.idx.msk [tilespmem:v1+s12+$0x0], $0xffff;
	v1 =	vimm.s32 $0x30;
	_ =	sdelay $0x4  }
0x65: {  	v53 =	vld.idx.msk [tilespmem:v1+s12+$0x0], $0xffff;
	v1 =	vimm.s32 $0x31;
	_ =	sdelay $0x4  }
0x66: {  	v51 =	vld.idx.msk [tilespmem:v1+s12+$0x0], $0xffff;
	v1 =	vimm.s32 $0x32;
	_ =	sdelay $0x4  }
0x67: {  	v44 =	vld.idx.msk [tilespmem:v1+s12+$0x0], $0xffff;
	v1 =	vimm.s32 $0x33;
	_ =	sdelay $0x4  }
0x68: {  	v49 =	vld.idx.msk [tilespmem:v1+s12+$0x0], $0xffff;
	v1 =	vimm.s32 $0x34;
	_ =	sdelay $0x4  }
0x69: {  	v43 =	vld.idx.msk [tilespmem:v1+s12+$0x0], $0xffff;
	v1 =	vimm.s32 $0x35;
	_ =	sdelay $0x4  }
0x6a: {  	v41 =	vld.idx.msk [tilespmem:v1+s12+$0x0], $0xffff;
	v1 =	vimm.s32 $0x36;
	_ =	sdelay $0x4  }
0x6b: {  	v47 =	vld.idx.msk [tilespmem:v1+s12+$0x0], $0xffff;
	v1 =	vimm.s32 $0x37;
	_ =	sdelay $0x1  }
0x6c: {  	v55 =	vld.idx.msk [tilespmem:v8+s12+$0x0], $0xffff  }
0x6d: {  	v52 =	vld.idx.msk [tilespmem:v12+s12+$0x0], $0xffff  }
0x6e: {  	v39 =	vld.idx.msk [tilespmem:v4+s12+$0x0], $0xffff  }
0x6f: {  	v37 =	vld.idx.msk [tilespmem:v1+s12+$0x0], $0xffff;
	_ =	swait.ge [sflag:s15], $0x200  }
0x70: {  	v5 =	vor.u32 s3, v0;
	[sflag:s15] =	ssyncset.done $0x0  }
0x71: {  	v7 =	vmul.u32 $0x3, v5;
	[sflag:s15] =	ssyncadd.s32 $0xFFFFFE00  }
0x72: {  	_ =	swait.ge [sflag:s15], $0x600  }
0x73: {  	v9 =	vadd.s32 $0x1, v7;
	[sflag:s15] =	ssyncset.done $0x0  }
0x74: {  	[sflag:s15] =	ssyncadd.s32 $0xFFFFFA00  }
0x75: {  	v3 =	vld [tilespmem:s3+$0x0];
	_ =	sdelay $0x1  }
0x76: {  	v22 =	vld.idx.msk [tilespmem:v7+s10+$0x0], $0xffff  }
0x77: {  	s20 =	simm.s32 $0x10;
	v9 =	vld.idx.msk [tilespmem:v9+s10+$0x0], $0xffff  }
0x78: {  	v10 =	vld [tilespmem:s20+$0x0];
	v7 =	vadd.s32 $0x2, v7  }
0x79: {  	v3 =	vshll.u32 v3, $0x3  }
0x7a: {  	v11 =	vor.u32 $0x6, v3  }
0x7b: {  	v28 =	vmul.f32 v22, v57;
	v13 =	vor.u32 $0x1, v3  }
0x7c: {  	v32 =	vmul.f32 v9, v59;
	v27 =	vmul.f32 v9, v60;
	v14 =	vor.u32 $0x5, v3  }
0x7d: {  	v21 =	vshll.u32 v10, $0x3;
	v23 =	vld.idx.msk [tilespmem:v7+s10+$0x0], $0xffff;
	v34 =	vmul.f32 v9, v58;
	v31 =	vmul.f32 v9, v56  }
0x7e: {  	v12 =	vmul.f32 v9, v54;
	v15 =	vor.u32 $0x2, v3;
	v25 =	vor.u32 $0x3, v3;
	v24 =	vld.idx.msk [tilespmem:v3+s16+$0x0], $0xffff  }
0x7f: {  	v10 =	vor.u32 $0x4, v3;
	v26 =	vor.u32 $0x7, v3;
	v20 =	vor.u32 $0x6, v21;
	v3 =	vld.idx.msk [tilespmem:v11+s16+$0x0], $0xffff  }
0x80: {  	v18 =	vor.u32 $0x1, v21;
	v19 =	vor.u32 $0x5, v21;
	v17 =	vor.u32 $0x2, v21;
	v11 =	vld.idx.msk [tilespmem:v13+s16+$0x0], $0xffff  }
0x81: {  	v62 =	vor.u32 $0x3, v21;
	v63 =	vor.u32 $0x4, v21;
	v13 =	vmul.f32 v22, v55;
	v14 =	vld.idx.msk [tilespmem:v14+s16+$0x0], $0xffff  }
0x82: {  	v61 =	vor.u32 $0x7, v21;
	v16 =	vmul.f32 v23, v53;
	v33 =	vmul.f32 v23, v51  }
0x83: {  	v35 =	vmul.f32 v23, v43;
	v15 =	vld.idx.msk [tilespmem:v15+s16+$0x0], $0xffff;
	v7 =	vadd.f32 v13, v24;
	v13 =	vmul.f32 v22, v52  }
0x84: {  	v10 =	vld.idx.msk [tilespmem:v10+s16+$0x0], $0xffff;
	v24 =	vshll.u32 v5, $0x3;
	v5 =	vmul.f32 v22, v48;
	v3 =	vadd.f32 v28, v3  }
0x85: {  	v28 =	vmul.f32 v22, v50;
	v29 =	vor.u32 $0x1, v24;
	v30 =	vor.u32 $0x2, v24  }
0x86: {  	v1 =	vld.idx.msk [tilespmem:v25+s16+$0x0], $0xffff;
	v25 =	vor.u32 $0x4, v24;
	v5 =	vadd.f32 v5, v14;
	v14 =	vmul.f32 v9, v46  }
0x87: {  	v11 =	vadd.f32 v13, v11;
	v13 =	vmul.f32 v22, v45;
	v3 =	vadd.f32 v34, v3  }
0x88: {  	v36 =	vadd.f32 v14, v5;
	v5 =	vmul.f32 v23, v47;
	v14 =	vadd.f32 v28, v15  }
0x89: {  	v15 =	vmul.f32 v9, v40;
	v10 =	vadd.f32 v13, v10;
	v13 =	vmul.f32 v9, v42  }
0x8a: {  	v34 =	vmul.f32 v23, v49;
	v9 =	vmul.f32 v23, v44;
	v4 =	vadd.f32 v5, v3  }
0x8b: {  	v6 =	vadd.f32 v15, v7;
	v5 =	vadd.f32 v13, v11;
	v7 =	vmul.f32 v22, v39  }
0x8c: {  	v28 =	vor.u32 s20, v0;
	v14 =	vadd.f32 v32, v14;
	v3 =	vadd.f32 v12, v10;
	v13 =	vld.idx.msk [tilespmem:v26+s16+$0x0], $0xffff  }
0x8d: {  	v32 =	vor.u32 $0x3, v24;
	v15 =	vadd.f32 v7, v1;
	v7 =	vmul.u32 $0x3, v28  }
0x8e: {  	s21 =	simm.s32 $0x20;
	s20 =	simm.s32 $0x20;
	v11 =	vmul.f32 v23, v41;
	v26 =	vmax.f32 v4, $0.0e+00;
	v10 =	vadd.f32 v16, v6  }
.LBB2_2:
0x8f: {  	v1 =	vld [tilespmem:s21+$0x0];
	p0 =	sne.s32 s20, $0x1F0;
	v4 =	vadd.s32 $0x1, v7;
	v6 =	vmul.f32 v22, v38;
	v9 =	vadd.f32 v9, v14;
	s22 =	smov.u32 s20;
	s20 =	sadd.s32 $0x10, s20  }
0x90: {  	v12 =	vadd.f32 v31, v15;
	v11 =	vadd.f32 v11, v36;
	v10 =	vmax.f32 v10, $0.0e+00  }
0x91: {  	v15 =	vadd.s32 $0x2, v7;
	v14 =	vld.idx.msk [tilespmem:v21+s16+$0x0], $0xffff;
	v6 =	vadd.f32 v6, v13;
	[tilespmem:v24+s17+$0x0] =	vst.idx.msk $0xffff, v10;
	v9 =	vmax.f32 v9, $0.0e+00  }
0x92: {  	v5 =	vadd.f32 v33, v5;
	v10 =	vld.idx.msk [tilespmem:v20+s16+$0x0], $0xffff;
	v12 =	vadd.f32 v34, v12  }
0x93: {  	v11 =	vmax.f32 v11, $0.0e+00;
	v22 =	vld.idx.msk [tilespmem:v7+s10+$0x0], $0xffff;
	v6 =	vadd.f32 v27, v6;
	v7 =	vmul.f32 v23, v37  }
0x94: {  	v21 =	vshll.u32 v1, $0x3;
	v1 =	vld.idx.msk [tilespmem:v4+s10+$0x0], $0xffff;
	v4 =	vmax.f32 v5, $0.0e+00;
	v5 =	vor.u32 $0x5, v24  }
0x95: {  	v3 =	vadd.f32 v35, v3;
	v6 =	vadd.f32 v7, v6;
	[tilespmem:v29+s17+$0x0] =	vst.idx.msk $0xffff, v4;
	v4 =	vor.u32 $0x6, v24  }
0x96: {  	v20 =	vor.u32 $0x6, v21;
	v7 =	vmax.f32 v12, $0.0e+00;
	v23 =	vld.idx.msk [tilespmem:v15+s10+$0x0], $0xffff;
	[tilespmem:v30+s17+$0x0] =	vst.idx.msk $0xffff, v9;
	v9 =	vor.u32 $0x7, v24  }
0x97: {  	v3 =	vmax.f32 v3, $0.0e+00;
	v12 =	vor.u32 $0x1, v21;
	v13 =	vld.idx.msk [tilespmem:v19+s16+$0x0], $0xffff;
	v19 =	vor.u32 $0x5, v21;
	[tilespmem:v32+s17+$0x0] =	vst.idx.msk $0xffff, v7  }
0x98: {  	v16 =	vor.u32 $0x4, v21;
	v15 =	vor.u32 $0x3, v21;
	v7 =	vor.u32 $0x2, v21;
	v29 =	vld.idx.msk [tilespmem:v18+s16+$0x0], $0xffff;
	[tilespmem:v25+s17+$0x0] =	vst.idx.msk $0xffff, v3;
	v18 =	vmovc v12  }
0x99: {  	v3 =	vor.u32 $0x7, v21;
	v12 =	vmul.f32 v22, v55;
	v24 =	vmul.f32 v22, v57;
	[tilespmem:v5+s17+$0x0] =	vst.idx.msk $0xffff, v11  }
0x9a: {  	v11 =	vmul.f32 v1, v59;
	v27 =	vmul.f32 v1, v60;
	[tilespmem:v4+s17+$0x0] =	vst.idx.msk $0xffff, v26;
	v4 =	vmax.f32 v6, $0.0e+00  }
0x9b: {  	v5 =	vadd.f32 v12, v14;
	v6 =	vmul.f32 v22, v52;
	v12 =	vmul.f32 v1, v58  }
0x9c: {  	v31 =	vmul.f32 v1, v56;
	v10 =	vadd.f32 v24, v10;
	[tilespmem:v9+s17+$0x0] =	vst.idx.msk $0xffff, v4  }
0x9d: {  	v26 =	vmul.f32 v1, v54;
	v24 =	vshll.u32 v28, $0x3;
	v9 =	vmul.f32 v22, v50;
	v4 =	vld.idx.msk [tilespmem:v17+s16+$0x0], $0xffff;
	v17 =	vmovc v7  }
0x9e: {  	v14 =	vmul.f32 v22, v48;
	v6 =	vadd.f32 v6, v29;
	v29 =	vor.u32 $0x1, v24;
	v7 =	vld.idx.msk [tilespmem:v63+s16+$0x0], $0xffff;
	v63 =	vmovc v16  }
0x9f: {  	v8 =	vmul.f32 v23, v53;
	v30 =	vor.u32 $0x2, v24;
	v16 =	vmul.f32 v22, v45  }
0xa0: {  	v33 =	vmul.f32 v23, v51;
	v13 =	vadd.f32 v14, v13;
	v14 =	vmul.f32 v1, v46  }
0xa1: {  	v34 =	vmul.f32 v23, v49;
	v25 =	vor.u32 $0x4, v24;
	v10 =	vadd.f32 v12, v10  }
0xa2: {  	v28 =	vmul.f32 v1, v42;
	v36 =	vadd.f32 v14, v13;
	v13 =	vmul.f32 v23, v47;
	v12 =	vld.idx.msk [tilespmem:v62+s16+$0x0], $0xffff  }
0xa3: {  	v1 =	vmul.f32 v1, v40;
	v4 =	vadd.f32 v9, v4;
	v9 =	vmul.f32 v23, v44;
	v62 =	vmovc v15  }
.Ltmp0:
0xa4: {  	v35 =	vmul.f32 v23, v43;
	v10 =	vadd.f32 v13, v10;
	v15 =	vadd.f32 v16, v7;
	(pc) =	sbr.rel @p0 .LBB2_2-.Ltmp0, $4  }
0xa5: {  	v32 =	vor.u32 $0x3, v24;
	v1 =	vadd.f32 v1, v5;
	v5 =	vadd.f32 v28, v6;
	v13 =	vld.idx.msk [tilespmem:v61+s16+$0x0], $0xffff;
	v61 =	vmovc v3  }
0xa6: {  	v28 =	vor.u32 s22, v0;
	v6 =	vmul.f32 v22, v39;
	v14 =	vadd.f32 v11, v4  }
0xa7: {  	v7 =	vmul.u32 $0x3, v28;
	v3 =	vadd.f32 v26, v15;
	v26 =	vmax.f32 v10, $0.0e+00  }
0xa8: {  	s21 =	sadd.s32 $0x10, s21;
	v11 =	vmul.f32 v23, v41;
	v10 =	vadd.f32 v8, v1;
	v15 =	vadd.f32 v6, v12  }
0xa9: {  	_ =	sdelay $0x2  }
0xaa: {  	v1 =	vadd.s32 $0x1, v7  }
0xab: {  	v4 =	vmul.f32 v22, v38;
	v6 =	vadd.f32 v9, v14;
	v12 =	vld.idx.msk [tilespmem:v21+s16+$0x0], $0xffff  }
0xac: {  	v22 =	vadd.s32 $0x2, v7;
	v5 =	vadd.f32 v33, v5;
	v7 =	vld.idx.msk [tilespmem:v7+s10+$0x0], $0xffff;
	v14 =	vor.u32 $0x5, v24  }
0xad: {  	v3 =	vadd.f32 v35, v3;
	v9 =	vor.u32 $0x6, v24;
	v35 =	vld.idx.msk [tilespmem:v18+s16+$0x0], $0xffff;
	v8 =	vadd.f32 v31, v15  }
0xae: {  	v11 =	vadd.f32 v11, v36;
	v10 =	vmax.f32 v10, $0.0e+00;
	v31 =	vld.idx.msk [tilespmem:v20+s16+$0x0], $0xffff;
	v4 =	vadd.f32 v4, v13  }
0xaf: {  	v6 =	vmax.f32 v6, $0.0e+00;
	[tilespmem:v24+s17+$0x0] =	vst.idx.msk $0xffff, v10;
	v5 =	vmax.f32 v5, $0.0e+00;
	v3 =	vmax.f32 v3, $0.0e+00;
	v1 =	vld.idx.msk [tilespmem:v1+s10+$0x0], $0xffff  }
0xb0: {  	v8 =	vadd.f32 v34, v8;
	v11 =	vmax.f32 v11, $0.0e+00;
	[tilespmem:v29+s17+$0x0] =	vst.idx.msk $0xffff, v5;
	v4 =	vadd.f32 v27, v4  }
0xb1: {  	v27 =	vmul.f32 v23, v37;
	[tilespmem:v30+s17+$0x0] =	vst.idx.msk $0xffff, v6;
	v23 =	vshll.u32 v28, $0x3;
	v16 =	vmul.f32 v7, v55  }
0xb2: {  	v5 =	vld.idx.msk [tilespmem:v22+s10+$0x0], $0xffff;
	v33 =	vmax.f32 v8, $0.0e+00;
	v36 =	vmul.f32 v7, v57;
	v52 =	vmul.f32 v7, v52  }
0xb3: {  	v8 =	vor.u32 $0x7, v24;
	v4 =	vadd.f32 v27, v4;
	[tilespmem:v32+s17+$0x0] =	vst.idx.msk $0xffff, v33;
	v12 =	vadd.f32 v16, v12  }
0xb4: {  	v34 =	vld.idx.msk [tilespmem:v19+s16+$0x0], $0xffff;
	v10 =	vadd.f32 v36, v31;
	v6 =	vmul.f32 v1, v59;
	v19 =	vmul.f32 v1, v60  }
0xb5: {  	v17 =	vld.idx.msk [tilespmem:v17+s16+$0x0], $0xffff;
	v15 =	vadd.f32 v52, v35;
	v55 =	vmul.f32 v1, v58;
	v18 =	vmul.f32 v1, v56  }
0xb6: {  	v16 =	vor.u32 $0x1, v23;
	[tilespmem:v25+s17+$0x0] =	vst.idx.msk $0xffff, v3;
	v56 =	vmul.f32 v7, v50;
	v57 =	vmul.f32 v1, v54  }
0xb7: {  	v35 =	vld.idx.msk [tilespmem:v62+s16+$0x0], $0xffff;
	v62 =	vor.u32 $0x6, v23;
	v58 =	vmul.f32 v7, v48;
	v60 =	vmul.f32 v7, v45  }
0xb8: {  	v52 =	vld.idx.msk [tilespmem:v61+s16+$0x0], $0xffff;
	v4 =	vmax.f32 v4, $0.0e+00;
	v3 =	vmul.f32 v5, v53;
	v33 =	vmul.f32 v1, v46  }
0xb9: {  	v59 =	vld.idx.msk [tilespmem:v63+s16+$0x0], $0xffff;
	v63 =	vor.u32 $0x2, v23;
	v36 =	vmul.f32 v5, v49;
	v46 =	vmul.f32 v1, v42  }
0xba: {  	[tilespmem:v14+s17+$0x0] =	vst.idx.msk $0xffff, v11;
	v45 =	vor.u32 $0x4, v23;
	v48 =	vmul.f32 v5, v47;
	v1 =	vmul.f32 v1, v40  }
0xbb: {  	v50 =	vmul.f32 v7, v39;
	v13 =	vadd.f32 v58, v34;
	v10 =	vadd.f32 v55, v10  }
0xbc: {  	v7 =	vmul.f32 v7, v38;
	v17 =	vadd.f32 v56, v17;
	v1 =	vadd.f32 v1, v12  }
0xbd: {  	v54 =	vmul.f32 v5, v43;
	v53 =	vadd.f32 v46, v15;
	v55 =	vadd.f32 v50, v35  }
0xbe: {  	v34 =	vmul.f32 v5, v51;
	v58 =	vadd.f32 v7, v52;
	v13 =	vadd.f32 v33, v13  }
0xbf: {  	v51 =	vmul.f32 v5, v44;
	v6 =	vadd.f32 v6, v17;
	v49 =	vadd.f32 v60, v59  }
0xc0: {  	v1 =	vadd.f32 v3, v1;
	v3 =	vmul.f32 v5, v41;
	v17 =	vadd.f32 v18, v55  }
0xc1: {  	[tilespmem:v9+s17+$0x0] =	vst.idx.msk $0xffff, v26;
	v12 =	vadd.f32 v34, v53;
	v56 =	vadd.f32 v57, v49;
	v57 =	vor.u32 $0x3, v23  }
0xc2: {  	[tilespmem:v8+s17+$0x0] =	vst.idx.msk $0xffff, v4;
	v4 =	vadd.f32 v19, v58;
	v6 =	vadd.f32 v51, v6;
	v1 =	vmax.f32 v1, $0.0e+00  }
0xc3: {  	v60 =	vor.u32 $0x5, v23;
	v59 =	vmax.f32 v12, $0.0e+00;
	[tilespmem:v23+s17+$0x0] =	vst.idx.msk $0xffff, v1;
	v1 =	vadd.f32 v36, v17  }
0xc4: {  	v5 =	vmul.f32 v5, v37;
	v6 =	vmax.f32 v6, $0.0e+00;
	[tilespmem:v16+s17+$0x0] =	vst.idx.msk $0xffff, v59;
	v61 =	vadd.f32 v54, v56  }
0xc5: {  	v3 =	vadd.f32 v3, v13;
	[tilespmem:v63+s17+$0x0] =	vst.idx.msk $0xffff, v6;
	v1 =	vmax.f32 v1, $0.0e+00;
	v63 =	vor.u32 $0x7, v23  }
0xc6: {  	v10 =	vadd.f32 v48, v10;
	[tilespmem:v57+s17+$0x0] =	vst.idx.msk $0xffff, v1;
	v1 =	vmax.f32 v61, $0.0e+00  }
0xc7: {  	v4 =	vadd.f32 v5, v4;
	v3 =	vmax.f32 v3, $0.0e+00;
	[tilespmem:v45+s17+$0x0] =	vst.idx.msk $0xffff, v1  }
0xc8: {  	s19 =	sadd.s32 $0x1, s19;
	v1 =	vmax.f32 v10, $0.0e+00;
	[tilespmem:v60+s17+$0x0] =	vst.idx.msk $0xffff, v3  }
0xc9: {  	p0 =	sne.s32 s19, s9;
	[tilespmem:v62+s17+$0x0] =	vst.idx.msk $0xffff, v1;
	v1 =	vmax.f32 v4, $0.0e+00  }
.Ltmp1:
0xca: {  	[tilespmem:v63+s17+$0x0] =	vst.idx.msk $0xffff, v1;
	(pc) =	sbr.rel @p0 .LBB2_1-.Ltmp1, $4  }
0xcb: {  	[hbm4b:s8+s3] =	stream.linear.scatter [tilespmem:s17], [sflag:$0x3], $0x1000, $0x38;
	[tilespmem:$0x1898] =	vst v63  }
0xcc: {  	_ =	swait.ge [sflag:s18], $0x1000  }
0xcd: {  	[sflag:s18] =	ssyncset.done $0x0  }
0xce: {  	[sflag:s18] =	ssyncadd.s32 $0xFFFFF000  }
0xcf: {  	_ =	sfence.sel $0x180000  }
0xd0: {  	[bflag:$0x0] =	sbarrier.arrive $0xFFFF  }
0xd1: {  	p0 =	sne.s32 s0, $0x0;
	_ =	strace $0x90000047  }
0xd2: {  	s0 =	sadd.s32 @!p0 $0x100000, s2;
	[bflag:$0x2] =	sbarrier.arrive $0xFFFF  }
0xd3: {  	[sflag:s0] =	ssyncadd.tile.s32 @!p0 $0x1;
	_ =	shalt  }
.Lfunc_end2:
_tile_overlayer_lowered:
.L_overlay_start_2:
0xd4: {  	(tag) =	ssettag $0x2  }
0xd5: {  	s0 =	rddreg [dreg:$0x0];
	s2 =	stileid.u32  }
0xd6: {  	s1 =	rddreg [dreg:$0x1];
	p0 =	sne.s32 s2, $0x0  }
0xd7: {  	s3 =	rddreg [dreg:$0x2];
	[bflag:$0x3] =	sbarrier.arrive $0xFFFF;
	s2 =	simm.s32 @!p0 $0x1C03  }
0xd8: {  	[timem:s3], [sflag:s2] =	dma.local @!p0 [hbm:s0], s1  }
0xd9: {  	s0 =	simm.s32 @!p0 $0x3  }
0xda: {  	_ =	swait.ge @!p0 [sflag:s0], s1  }
0xdb: {  	s1 =	ssub.s32 @!p0 $0x0, s1;
	[sflag:s0] =	ssyncset.done @!p0 $0x0  }
0xdc: {  	[sflag:s0] =	ssyncadd.s32 @!p0 s1  }
0xdd: {  	[bflag:$0x3] =	sbarrier.arrive $0xFFFF  }
0xde: {  	_ =	shalt  }

</sc_bundles>
